<compile_context>
chip_gen: v7x
topology: tpu7x:2x2x1
jax: 0.10.2.dev20260603
libtpu: 0.0.44.dev20260713+nightly
codegen_flags: <defaults>
</compile_context>

<pallas_src>
import functools

import jax
import jax.numpy as jnp
from jax import lax
from jax.experimental import pallas as pl
from jax.experimental.pallas import tpu as pltpu
from jax.experimental.pallas import tpu_sc as plsc

_NC = 2
_NS = 16
_NW = _NC * _NS
_L = 16


def _pool_body(cb, ap_ref, tgt_ref, pooled_ref, lab_ref):
    i = pl.program_id(0)
    pooled_ref[...] = jnp.max(ap_ref[...], axis=0)

    @pl.when(i == 0)
    def _():
        t = tgt_ref[...]
        cls = lax.broadcasted_iota(jnp.int32, t.shape, 0).astype(jnp.float32)
        lab_ref[...] = jnp.sum(t * cls, axis=0, keepdims=True).astype(jnp.int32)


def _final_body(d_ref, out_ref):
    d = d_ref[...]

    def softplus(x):
        return jnp.maximum(x, 0.0) + jnp.log1p(jnp.exp(-jnp.abs(x)))

    s = jnp.sum(softplus(d))
    cnt = 0.5 * jnp.sum((d > -1e29).astype(jnp.float32))
    out_ref[...] = jnp.reshape(s / jnp.maximum(cnt, 1.0), (1, 1))


def _make_sc_pairs(n, bn, c, ppw):
    mesh = plsc.VectorSubcoreMesh(core_axis_name="c", subcore_axis_name="s")

    @functools.partial(
        pl.kernel,
        mesh=mesh,
        compiler_params=pltpu.CompilerParams(needs_layout_passes=False),
        out_type=jax.ShapeDtypeStruct((2 * n,), jnp.float32),
        scratch_types=[
            pltpu.VMEM((ppw,), jnp.int32),
            pltpu.VMEM((ppw,), jnp.int32),
            pltpu.VMEM((ppw,), jnp.int32),
            pltpu.VMEM((ppw,), jnp.int32),
            pltpu.VMEM((ppw,), jnp.int32),
            pltpu.VMEM((ppw,), jnp.int32),
            pltpu.VMEM((ppw,), jnp.int32),
            pltpu.VMEM((ppw,), jnp.int32),
            pltpu.VMEM((ppw,), jnp.float32),
            pltpu.VMEM((ppw,), jnp.float32),
            pltpu.VMEM((ppw,), jnp.float32),
            pltpu.VMEM((ppw,), jnp.float32),
            pltpu.VMEM((ppw,), jnp.float32),
            pltpu.VMEM((ppw,), jnp.float32),
            pltpu.VMEM((ppw,), jnp.float32),
            pltpu.SemaphoreType.DMA,
            pltpu.SemaphoreType.DMA,
        ],
    )
    def sc_pairs(pooled_hbm, labels_hbm, aidx_hbm, vidx_hbm, d_hbm,
                 aidx_v, vidx_v, la_v, lv_v, ia_v, ivp_v, ian_v, ivn_v,
                 va_v, vvp_v, van_v, vvn_v, pen_v, da_v, dv_v, sem, sem2):
        cstride = (bn + n) // 128 * 256
        wid = lax.axis_index("s") * _NC + lax.axis_index("c")
        base = wid * ppw
        half = ppw // 2
        idx_copies = [
            pltpu.async_copy(aidx_hbm.at[pl.ds(base, ppw)], aidx_v, sem),
            pltpu.async_copy(vidx_hbm.at[pl.ds(base, ppw)], vidx_v, sem),
        ]
        for cp in idx_copies:
            cp.wait()
        lab_copies = [
            pltpu.async_copy(labels_hbm.at[aidx_v], la_v, sem),
            pltpu.async_copy(labels_hbm.at[vidx_v], lv_v, sem),
        ]
        for cp in lab_copies:
            cp.wait()

        def build(k, _):
            sl = pl.ds(k * _L, _L)
            ja = aidx_v[sl]
            jv = vidx_v[sl]
            la = la_v[sl]
            lv = lv_v[sl]
            r = lax.iota(jnp.int32, _L) + (base + k * _L + bn)
            ja_off = lax.shift_right_logical(ja, 7) * 256 + (ja & 127)
            jv_off = lax.shift_right_logical(jv, 7) * 256 + (jv & 127)
            r_off = lax.shift_right_logical(r, 7) * 256 + (r & 127)
            ia_v[sl] = la * cstride + ja_off
            ivp_v[sl] = lv * cstride + jv_off + 128
            ian_v[sl] = la * cstride + r_off + 128
            ivn_v[sl] = lv * cstride + r_off
            pen_v[sl] = jnp.where(la != lv, 0.0, -1e30)
            return 0

        def diff(k, _):
            sl = pl.ds(k * _L, _L)
            da_v[sl] = (van_v[sl] - va_v[sl]) + pen_v[sl]
            dv_v[sl] = (vvn_v[sl] - vvp_v[sl]) + pen_v[sl]
            return 0

        nk = ppw // _L
        lax.fori_loop(0, nk // 2, build, 0)
        h0 = pl.ds(0, half)
        g0 = [
            pltpu.async_copy(pooled_hbm.at[ia_v.at[h0]], va_v.at[h0], sem),
            pltpu.async_copy(pooled_hbm.at[ivp_v.at[h0]], vvp_v.at[h0], sem),
            pltpu.async_copy(pooled_hbm.at[ian_v.at[h0]], van_v.at[h0], sem),
            pltpu.async_copy(pooled_hbm.at[ivn_v.at[h0]], vvn_v.at[h0], sem),
        ]
        lax.fori_loop(nk // 2, nk, build, 0)
        h1 = pl.ds(half, half)
        g1 = [
            pltpu.async_copy(pooled_hbm.at[ia_v.at[h1]], va_v.at[h1], sem2),
            pltpu.async_copy(pooled_hbm.at[ivp_v.at[h1]], vvp_v.at[h1], sem2),
            pltpu.async_copy(pooled_hbm.at[ian_v.at[h1]], van_v.at[h1], sem2),
            pltpu.async_copy(pooled_hbm.at[ivn_v.at[h1]], vvn_v.at[h1], sem2),
        ]
        for cp in g0:
            cp.wait()
        lax.fori_loop(0, nk // 2, diff, 0)
        for cp in g1:
            cp.wait()
        lax.fori_loop(nk // 2, nk, diff, 0)
        out_copies = [
            pltpu.async_copy(da_v, d_hbm.at[pl.ds(base, ppw)], sem),
            pltpu.async_copy(dv_v, d_hbm.at[pl.ds(n + base, ppw)], sem),
        ]
        for cp in out_copies:
            cp.wait()

    return sc_pairs


def kernel(all_prob, audio_idx, vis_idx, target):
    total, t_len, _, c = all_prob.shape
    n = audio_idx.shape[0]
    bn = total - n
    rb = total // 128

    audio_idx = audio_idx.astype(jnp.int32)
    vis_idx = vis_idx.astype(jnp.int32)

    ap_v = (all_prob.reshape(rb, 128, t_len, 2, c)
            .transpose(2, 4, 0, 3, 1)
            .reshape(t_len, c, rb * 2, 128))

    cb = 5
    pooled, labels2d = pl.pallas_call(
        functools.partial(_pool_body, cb),
        grid=(c // cb,),
        in_specs=[
            pl.BlockSpec((t_len, cb, rb * 2, 128), lambda i: (0, i, 0, 0)),
            pl.BlockSpec((c, bn), lambda i: (0, 0)),
        ],
        out_specs=[
            pl.BlockSpec((cb, rb * 2, 128), lambda i: (i, 0, 0)),
            pl.BlockSpec((1, bn), lambda i: (0, 0)),
        ],
        out_shape=[
            jax.ShapeDtypeStruct((c, rb * 2, 128), jnp.float32),
            jax.ShapeDtypeStruct((1, bn), jnp.int32),
        ],
    )(ap_v, target.T)

    ppw = n // _NW
    sc_pairs = _make_sc_pairs(n, bn, c, ppw)
    d_all = sc_pairs(pooled.reshape(c * rb * 256), labels2d.reshape(bn),
                     audio_idx, vis_idx)

    rows = 2 * n // 128
    out = pl.pallas_call(
        _final_body,
        out_shape=jax.ShapeDtypeStruct((1, 1), jnp.float32),
    )(d_all.reshape(rows, 128))
    return out[0, 0]

# --- scband reference (transcript-rebuilt; emitter-appended) ---
"""Pipeline reference for scband-ybloss-84628035600897 (READ-ONLY COPY).

The authoritative reference and input builder live on the scoring server;
editing this copy changes nothing except your own understanding.
"""

import jax, jax.numpy as jnp
import numpy as np

B = 4096
NPAIR = 4096
T = 50
C = 25

def setup_inputs(seed: int = 0):
    key = jax.random.key(seed)
    k1, k2, k3, k4 = jax.random.split(key, 4)
    all_prob = jax.random.normal(k1, (B + NPAIR, T, 2, C), dtype=jnp.float32)
    audio_idx = jax.random.permutation(k2, jnp.arange(B))[:NPAIR]
    vis_idx = jax.random.permutation(k3, jnp.arange(B))[:NPAIR]
    labels = jax.random.randint(k4, (B,), 0, C)
    target = jax.nn.one_hot(labels, C, dtype=jnp.float32)
    return {"all_prob": all_prob, "audio_idx": audio_idx, "vis_idx": vis_idx, "target": target}


def reference(all_prob, audio_idx, vis_idx, target):
    # opt fixed: exp=True, pos_pool='max', neg_pool='max'; margin/tau unused in forward
    n = audio_idx.shape[0]
    Bn = all_prob.shape[0] - n
    # loop condition: disjoint label pairs
    cond = ((jnp.take(target, audio_idx, axis=0) * jnp.take(target, vis_idx, axis=0)).sum(axis=-1) == 0)
    cm = cond[:, None].astype(all_prob.dtype)
    # positive pooled probs (max over time, then exp)
    a_pos_vals = jnp.exp(jnp.max(all_prob[audio_idx, :, 0, :], axis=1))  # [n, C]
    v_pos_vals = jnp.exp(jnp.max(all_prob[vis_idx, :, 1, :], axis=1))    # [n, C]
    # negative rows are the last n rows of all_prob (row Bn+i for pair i)
    neg_max = jnp.max(all_prob[Bn:], axis=1)  # [n, 2, C]
    a_neg_vals = jnp.exp(neg_max[:, 1, :])
    v_neg_vals = jnp.exp(neg_max[:, 0, :])
    zeros = jnp.zeros((Bn, C), all_prob.dtype)
    # pos uses overwrite (torch '='), neg uses accumulate (torch '+='); indices are unique
    a_prob_pos = zeros.at[audio_idx].set(a_pos_vals * cm)
    v_prob_pos = zeros.at[vis_idx].set(v_pos_vals * cm)
    a_prob_neg = zeros.at[audio_idx].add(a_neg_vals * cm)
    v_prob_neg = zeros.at[vis_idx].add(v_neg_vals * cm)
    v_pp = v_prob_pos * target
    v_pn = v_prob_neg * target
    a_pp = a_prob_pos * target
    a_pn = a_prob_neg * target

    def masked_nll(pos, negv):
        # equivalent to (-log(pos_nz/(pos_nz+neg_nz))).mean(); since exp(.)>0, the
        # nonzero masks of pos and neg filters coincide
        mask = pos != 0
        p = jnp.where(mask, pos, 1.0)
        q = jnp.where(mask, negv, 0.0)
        t = -jnp.log(p / (p + q))
        return jnp.sum(jnp.where(mask, t, 0.0)) / jnp.maximum(mask.sum(), 1).astype(pos.dtype)

    loss = masked_nll(v_pp, v_pn) + masked_nll(a_pp, a_pn)
    return loss

if __name__ == "__main__":
    import jax
    _d = setup_inputs()
    print(jax.jit(kernel)(*tuple(_d.values())))

</pallas_src>

<mosaic_0001>
#map = affine_map<(d0, d1) -> (0)>
module attributes {stable_mosaic.version = 14 : i64} {
  func.func @sc_pairs(%arg0: i32, %arg1: i32, %arg2: memref<409600xf32, #tpu.memory_space<hbm>>, %arg3: memref<4096xi32, #tpu.memory_space<hbm>>, %arg4: memref<4096xi32, #tpu.memory_space<hbm>>, %arg5: memref<4096xi32, #tpu.memory_space<hbm>>, %arg6: memref<8192xf32, #tpu.memory_space<hbm>>, %arg7: memref<128xi32, #tpu.memory_space<vmem>>, %arg8: memref<128xi32, #tpu.memory_space<vmem>>, %arg9: memref<128xi32, #tpu.memory_space<vmem>>, %arg10: memref<128xi32, #tpu.memory_space<vmem>>, %arg11: memref<128xi32, #tpu.memory_space<vmem>>, %arg12: memref<128xi32, #tpu.memory_space<vmem>>, %arg13: memref<128xi32, #tpu.memory_space<vmem>>, %arg14: memref<128xi32, #tpu.memory_space<vmem>>, %arg15: memref<128xf32, #tpu.memory_space<vmem>>, %arg16: memref<128xf32, #tpu.memory_space<vmem>>, %arg17: memref<128xf32, #tpu.memory_space<vmem>>, %arg18: memref<128xf32, #tpu.memory_space<vmem>>, %arg19: memref<128xf32, #tpu.memory_space<vmem>>, %arg20: memref<128xf32, #tpu.memory_space<vmem>>, %arg21: memref<128xf32, #tpu.memory_space<vmem>>, %arg22: memref<!tpu.dma_semaphore, #tpu.memory_space<semaphore_mem>>, %arg23: memref<!tpu.dma_semaphore, #tpu.memory_space<semaphore_mem>>) attributes {dimension_semantics = [#tpu.dimension_semantics<core_parallel>, #tpu.dimension_semantics<subcore_parallel>], iteration_bounds = array<i64: 2, 16>, scalar_prefetch = 0 : i64, scratch_operands = 17 : i64, tpu.core_type = #tpu.core_type<sc_vector_subcore>, window_params = [{transform_indices = #map}, {transform_indices = #map}, {transform_indices = #map}, {transform_indices = #map}, {transform_indices = #map}]} {
    %mul3A = arith.constant 2 : i32
    %mul3A_0 = arith.muli %arg1, %mul3A : i32
    %add3A = arith.addi %mul3A_0, %arg0 : i32
    %mul3A_1 = arith.constant 128 : i32
    %mul3A_2 = arith.muli %add3A, %mul3A_1 : i32
    %dma_start3A = tpu.memref_slice %arg4[%mul3A_2] : memref<4096xi32, #tpu.memory_space<hbm>> -> memref<128xi32, #tpu.memory_space<hbm>>
    %dma_start3A_3 = tpu.memref_slice %arg4[%mul3A_2] : memref<4096xi32, #tpu.memory_space<hbm>> -> memref<128xi32, #tpu.memory_space<hbm>>
    tpu.enqueue_dma source(%dma_start3A_3 : memref<128xi32, #tpu.memory_space<hbm>>) target(%arg7 : memref<128xi32, #tpu.memory_space<vmem>>) target_semaphore(%arg22 : memref<!tpu.dma_semaphore, #tpu.memory_space<semaphore_mem>>)
    %dma_start3A_4 = tpu.memref_slice %arg5[%mul3A_2] : memref<4096xi32, #tpu.memory_space<hbm>> -> memref<128xi32, #tpu.memory_space<hbm>>
    %dma_start3A_5 = tpu.memref_slice %arg5[%mul3A_2] : memref<4096xi32, #tpu.memory_space<hbm>> -> memref<128xi32, #tpu.memory_space<hbm>>
    tpu.enqueue_dma source(%dma_start3A_5 : memref<128xi32, #tpu.memory_space<hbm>>) target(%arg8 : memref<128xi32, #tpu.memory_space<vmem>>) target_semaphore(%arg22 : memref<!tpu.dma_semaphore, #tpu.memory_space<semaphore_mem>>)
    %dma_wait3A = tpu.memref_slice %arg4[%mul3A_2] : memref<4096xi32, #tpu.memory_space<hbm>> -> memref<128xi32, #tpu.memory_space<hbm>>
    %dma_wait3A_6 = tpu.memref_slice %arg4[%mul3A_2] : memref<4096xi32, #tpu.memory_space<hbm>> -> memref<128xi32, #tpu.memory_space<hbm>>
    tpu.wait_dma2 semaphore(%arg22 : memref<!tpu.dma_semaphore, #tpu.memory_space<semaphore_mem>>) src(%dma_wait3A_6 : memref<128xi32, #tpu.memory_space<hbm>>) dst(%arg7 : memref<128xi32, #tpu.memory_space<vmem>>)
    %dma_wait3A_7 = tpu.memref_slice %arg5[%mul3A_2] : memref<4096xi32, #tpu.memory_space<hbm>> -> memref<128xi32, #tpu.memory_space<hbm>>
    %dma_wait3A_8 = tpu.memref_slice %arg5[%mul3A_2] : memref<4096xi32, #tpu.memory_space<hbm>> -> memref<128xi32, #tpu.memory_space<hbm>>
    tpu.wait_dma2 semaphore(%arg22 : memref<!tpu.dma_semaphore, #tpu.memory_space<semaphore_mem>>) src(%dma_wait3A_8 : memref<128xi32, #tpu.memory_space<hbm>>) dst(%arg8 : memref<128xi32, #tpu.memory_space<vmem>>)
    %dma_start3A_9 = arith.constant 0 : i32
    %dma_start3A_10 = tpu.memref_slice %arg3[%dma_start3A_9] : memref<4096xi32, #tpu.memory_space<hbm>> -> memref<4096xi32, #tpu.memory_space<hbm>>
    tpu.enqueue_indirect_dma source(%dma_start3A_10 : memref<4096xi32, #tpu.memory_space<hbm>>) target(%arg9 : memref<128xi32, #tpu.memory_space<vmem>>) offsets(%arg7 : memref<128xi32, #tpu.memory_space<vmem>>) semaphore(%arg22 : memref<!tpu.dma_semaphore, #tpu.memory_space<semaphore_mem>>)
    %dma_start3A_11 = arith.constant 0 : i32
    %dma_start3A_12 = tpu.memref_slice %arg3[%dma_start3A_11] : memref<4096xi32, #tpu.memory_space<hbm>> -> memref<4096xi32, #tpu.memory_space<hbm>>
    tpu.enqueue_indirect_dma source(%dma_start3A_12 : memref<4096xi32, #tpu.memory_space<hbm>>) target(%arg10 : memref<128xi32, #tpu.memory_space<vmem>>) offsets(%arg8 : memref<128xi32, #tpu.memory_space<vmem>>) semaphore(%arg22 : memref<!tpu.dma_semaphore, #tpu.memory_space<semaphore_mem>>)
    %dma_wait3A_13 = arith.constant 0 : i32
    %dma_wait3A_14 = tpu.memref_slice %arg3[%dma_wait3A_13] : memref<4096xi32, #tpu.memory_space<hbm>> -> memref<4096xi32, #tpu.memory_space<hbm>>
    tpu.wait_indirect_dma semaphore(%arg22 : memref<!tpu.dma_semaphore, #tpu.memory_space<semaphore_mem>>) src(%dma_wait3A_14 : memref<4096xi32, #tpu.memory_space<hbm>>) dst(%arg9 : memref<128xi32, #tpu.memory_space<vmem>>)
    %dma_wait3A_15 = arith.constant 0 : i32
    %dma_wait3A_16 = tpu.memref_slice %arg3[%dma_wait3A_15] : memref<4096xi32, #tpu.memory_space<hbm>> -> memref<4096xi32, #tpu.memory_space<hbm>>
    tpu.wait_indirect_dma semaphore(%arg22 : memref<!tpu.dma_semaphore, #tpu.memory_space<semaphore_mem>>) src(%dma_wait3A_16 : memref<4096xi32, #tpu.memory_space<hbm>>) dst(%arg10 : memref<128xi32, #tpu.memory_space<vmem>>)
    %scan3A = arith.constant 0 : i32
    %scan3A_17 = arith.constant 0 : i32
    %scan3A_18 = arith.constant 4 : i32
    %scan3A_19 = arith.addi %scan3A_17, %scan3A_18 : i32
    %scan3A_20 = arith.constant 1 : i32
    %scan3A_21 = scf.for %scan3A_150 = %scan3A_17 to %scan3A_19 step %scan3A_20 iter_args(%scan3A_151 = %scan3A) -> (i32)  : i32 {
      %mul3A_152 = arith.constant 16 : i32
      %mul3A_153 = arith.muli %scan3A_150, %mul3A_152 : i32
      %get3A = arith.index_cast %mul3A_153 : i32 to index
      %get3A_154 = tpu.vector_load %arg7[%get3A] {strides = array<i32>} : memref<128xi32, #tpu.memory_space<vmem>>, vector<16xi32>,
      %get3A_155 = arith.index_cast %mul3A_153 : i32 to index
      %get3A_156 = tpu.vector_load %arg8[%get3A_155] {strides = array<i32>} : memref<128xi32, #tpu.memory_space<vmem>>, vector<16xi32>,
      %get3A_157 = arith.index_cast %mul3A_153 : i32 to index
      %get3A_158 = tpu.vector_load %arg9[%get3A_157] {strides = array<i32>} : memref<128xi32, #tpu.memory_space<vmem>>, vector<16xi32>,
      %get3A_159 = arith.index_cast %mul3A_153 : i32 to index
      %get3A_160 = tpu.vector_load %arg10[%get3A_159] {strides = array<i32>} : memref<128xi32, #tpu.memory_space<vmem>>, vector<16xi32>,
      %iota3A = tpu.iota {dimensions = array<i32: 0>} : vector<16xi32>
      %mul3A_161 = arith.constant 16 : i32
      %mul3A_162 = arith.muli %scan3A_150, %mul3A_161 : i32
      %add3A_163 = arith.addi %mul3A_2, %mul3A_162 : i32
      %add3A_164 = arith.constant 4096 : i32
      %add3A_165 = arith.addi %add3A_163, %add3A_164 : i32
      %add3A_166 = vector.broadcast %add3A_165 : i32 to vector<16xi32>
      %add3A_167 = arith.addi %iota3A, %add3A_166 : vector<16xi32>
      %shift_right_logical3A = arith.constant 7 : i32
      %shift_right_logical3A_168 = vector.broadcast %shift_right_logical3A : i32 to vector<16xi32>
      %shift_right_logical3A_169 = arith.shrui %get3A_154, %shift_right_logical3A_168 : vector<16xi32>
      %mul3A_170 = arith.constant 256 : i32
      %mul3A_171 = vector.broadcast %mul3A_170 : i32 to vector<16xi32>
      %mul3A_172 = arith.muli %shift_right_logical3A_169, %mul3A_171 : vector<16xi32>
      %and3A = arith.constant 127 : i32
      %and3A_173 = vector.broadcast %and3A : i32 to vector<16xi32>
      %and3A_174 = arith.andi %get3A_154, %and3A_173 : vector<16xi32>
      %add3A_175 = arith.addi %mul3A_172, %and3A_174 : vector<16xi32>
      %shift_right_logical3A_176 = arith.constant 7 : i32
      %shift_right_logical3A_177 = vector.broadcast %shift_right_logical3A_176 : i32 to vector<16xi32>
      %shift_right_logical3A_178 = arith.shrui %get3A_156, %shift_right_logical3A_177 : vector<16xi32>
      %mul3A_179 = arith.constant 256 : i32
      %mul3A_180 = vector.broadcast %mul3A_179 : i32 to vector<16xi32>
      %mul3A_181 = arith.muli %shift_right_logical3A_178, %mul3A_180 : vector<16xi32>
      %and3A_182 = arith.constant 127 : i32
      %and3A_183 = vector.broadcast %and3A_182 : i32 to vector<16xi32>
      %and3A_184 = arith.andi %get3A_156, %and3A_183 : vector<16xi32>
      %add3A_185 = arith.addi %mul3A_181, %and3A_184 : vector<16xi32>
      %shift_right_logical3A_186 = arith.constant 7 : i32
      %shift_right_logical3A_187 = vector.broadcast %shift_right_logical3A_186 : i32 to vector<16xi32>
      %shift_right_logical3A_188 = arith.shrui %add3A_167, %shift_right_logical3A_187 : vector<16xi32>
      %mul3A_189 = arith.constant 256 : i32
      %mul3A_190 = vector.broadcast %mul3A_189 : i32 to vector<16xi32>
      %mul3A_191 = arith.muli %shift_right_logical3A_188, %mul3A_190 : vector<16xi32>
      %and3A_192 = arith.constant 127 : i32
      %and3A_193 = vector.broadcast %and3A_192 : i32 to vector<16xi32>
      %and3A_194 = arith.andi %add3A_167, %and3A_193 : vector<16xi32>
      %add3A_195 = arith.addi %mul3A_191, %and3A_194 : vector<16xi32>
      %mul3A_196 = arith.constant 16384 : i32
      %mul3A_197 = vector.broadcast %mul3A_196 : i32 to vector<16xi32>
      %mul3A_198 = arith.muli %get3A_158, %mul3A_197 : vector<16xi32>
      %add3A_199 = arith.addi %mul3A_198, %add3A_175 : vector<16xi32>
      %swap3A = arith.index_cast %mul3A_153 : i32 to index
      %swap3A_200 = tpu.vector_load %arg11[%swap3A] {strides = array<i32>} : memref<128xi32, #tpu.memory_space<vmem>>, vector<16xi32>,
      tpu.vector_store %arg11[%swap3A], %add3A_199 {strides = array<i32>} : memref<128xi32, #tpu.memory_space<vmem>>, vector<16xi32>,
      %mul3A_201 = arith.constant 16384 : i32
      %mul3A_202 = vector.broadcast %mul3A_201 : i32 to vector<16xi32>
      %mul3A_203 = arith.muli %get3A_160, %mul3A_202 : vector<16xi32>
      %add3A_204 = arith.addi %mul3A_203, %add3A_185 : vector<16xi32>
      %add3A_205 = arith.constant 128 : i32
      %add3A_206 = vector.broadcast %add3A_205 : i32 to vector<16xi32>
      %add3A_207 = arith.addi %add3A_204, %add3A_206 : vector<16xi32>
      %swap3A_208 = arith.index_cast %mul3A_153 : i32 to index
      %swap3A_209 = tpu.vector_load %arg12[%swap3A_208] {strides = array<i32>} : memref<128xi32, #tpu.memory_space<vmem>>, vector<16xi32>,
      tpu.vector_store %arg12[%swap3A_208], %add3A_207 {strides = array<i32>} : memref<128xi32, #tpu.memory_space<vmem>>, vector<16xi32>,
      %mul3A_210 = arith.constant 16384 : i32
      %mul3A_211 = vector.broadcast %mul3A_210 : i32 to vector<16xi32>
      %mul3A_212 = arith.muli %get3A_158, %mul3A_211 : vector<16xi32>
      %add3A_213 = arith.addi %mul3A_212, %add3A_195 : vector<16xi32>
      %add3A_214 = arith.constant 128 : i32
      %add3A_215 = vector.broadcast %add3A_214 : i32 to vector<16xi32>
      %add3A_216 = arith.addi %add3A_213, %add3A_215 : vector<16xi32>
      %swap3A_217 = arith.index_cast %mul3A_153 : i32 to index
      %swap3A_218 = tpu.vector_load %arg13[%swap3A_217] {strides = array<i32>} : memref<128xi32, #tpu.memory_space<vmem>>, vector<16xi32>,
      tpu.vector_store %arg13[%swap3A_217], %add3A_216 {strides = array<i32>} : memref<128xi32, #tpu.memory_space<vmem>>, vector<16xi32>,
      %mul3A_219 = arith.constant 16384 : i32
      %mul3A_220 = vector.broadcast %mul3A_219 : i32 to vector<16xi32>
      %mul3A_221 = arith.muli %get3A_160, %mul3A_220 : vector<16xi32>
      %add3A_222 = arith.addi %mul3A_221, %add3A_195 : vector<16xi32>
      %swap3A_223 = arith.index_cast %mul3A_153 : i32 to index
      %swap3A_224 = tpu.vector_load %arg14[%swap3A_223] {strides = array<i32>} : memref<128xi32, #tpu.memory_space<vmem>>, vector<16xi32>,
      tpu.vector_store %arg14[%swap3A_223], %add3A_222 {strides = array<i32>} : memref<128xi32, #tpu.memory_space<vmem>>, vector<16xi32>,
      %ne3A = arith.cmpi ne, %get3A_158, %get3A_160 : vector<16xi32>
      %jit3A = arith.constant 0.000000e+00 : f32
      %jit3A_225 = arith.constant -1.000000e+30 : f32
      %broadcast_in_dim3A = vector.broadcast %jit3A : f32 to vector<16xf32>
      %broadcast_in_dim3A_226 = vector.broadcast %jit3A_225 : f32 to vector<16xf32>
      %select_n3A = arith.select %ne3A, %broadcast_in_dim3A, %broadcast_in_dim3A_226 : vector<16xi1>, vector<16xf32>
      %swap3A_227 = arith.index_cast %mul3A_153 : i32 to index
      %swap3A_228 = tpu.vector_load %arg19[%swap3A_227] {strides = array<i32>} : memref<128xf32, #tpu.memory_space<vmem>>, vector<16xf32>,
      tpu.vector_store %arg19[%swap3A_227], %select_n3A {strides = array<i32>} : memref<128xf32, #tpu.memory_space<vmem>>, vector<16xf32>,
      %scan3A_229 = arith.constant 0 : i32
      scf.yield %scan3A_229 : i32
    }
    %scan3A_22 = arith.constant 4 : i32
    %dma_start3A_23 = arith.constant 0 : i32
    %dma_start3A_24 = tpu.memref_slice %arg15[%dma_start3A_23] : memref<128xf32, #tpu.memory_space<vmem>> -> memref<64xf32, #tpu.memory_space<vmem>>
    %dma_start3A_25 = arith.constant 0 : i32
    %dma_start3A_26 = tpu.memref_slice %arg11[%dma_start3A_25] : memref<128xi32, #tpu.memory_space<vmem>> -> memref<64xi32, #tpu.memory_space<vmem>>
    %dma_start3A_27 = arith.constant 0 : i32
    %dma_start3A_28 = tpu.memref_slice %arg2[%dma_start3A_27] : memref<409600xf32, #tpu.memory_space<hbm>> -> memref<409600xf32, #tpu.memory_space<hbm>>
    tpu.enqueue_indirect_dma source(%dma_start3A_28 : memref<409600xf32, #tpu.memory_space<hbm>>) target(%dma_start3A_24 : memref<64xf32, #tpu.memory_space<vmem>>) offsets(%dma_start3A_26 : memref<64xi32, #tpu.memory_space<vmem>>) semaphore(%arg22 : memref<!tpu.dma_semaphore, #tpu.memory_space<semaphore_mem>>)
    %dma_start3A_29 = arith.constant 0 : i32
    %dma_start3A_30 = tpu.memref_slice %arg16[%dma_start3A_29] : memref<128xf32, #tpu.memory_space<vmem>> -> memref<64xf32, #tpu.memory_space<vmem>>
    %dma_start3A_31 = arith.constant 0 : i32
    %dma_start3A_32 = tpu.memref_slice %arg12[%dma_start3A_31] : memref<128xi32, #tpu.memory_space<vmem>> -> memref<64xi32, #tpu.memory_space<vmem>>
    %dma_start3A_33 = arith.constant 0 : i32
    %dma_start3A_34 = tpu.memref_slice %arg2[%dma_start3A_33] : memref<409600xf32, #tpu.memory_space<hbm>> -> memref<409600xf32, #tpu.memory_space<hbm>>
    tpu.enqueue_indirect_dma source(%dma_start3A_34 : memref<409600xf32, #tpu.memory_space<hbm>>) target(%dma_start3A_30 : memref<64xf32, #tpu.memory_space<vmem>>) offsets(%dma_start3A_32 : memref<64xi32, #tpu.memory_space<vmem>>) semaphore(%arg22 : memref<!tpu.dma_semaphore, #tpu.memory_space<semaphore_mem>>)
    %dma_start3A_35 = arith.constant 0 : i32
    %dma_start3A_36 = tpu.memref_slice %arg17[%dma_start3A_35] : memref<128xf32, #tpu.memory_space<vmem>> -> memref<64xf32, #tpu.memory_space<vmem>>
    %dma_start3A_37 = arith.constant 0 : i32
    %dma_start3A_38 = tpu.memref_slice %arg13[%dma_start3A_37] : memref<128xi32, #tpu.memory_space<vmem>> -> memref<64xi32, #tpu.memory_space<vmem>>
    %dma_start3A_39 = arith.constant 0 : i32
    %dma_start3A_40 = tpu.memref_slice %arg2[%dma_start3A_39] : memref<409600xf32, #tpu.memory_space<hbm>> -> memref<409600xf32, #tpu.memory_space<hbm>>
    tpu.enqueue_indirect_dma source(%dma_start3A_40 : memref<409600xf32, #tpu.memory_space<hbm>>) target(%dma_start3A_36 : memref<64xf32, #tpu.memory_space<vmem>>) offsets(%dma_start3A_38 : memref<64xi32, #tpu.memory_space<vmem>>) semaphore(%arg22 : memref<!tpu.dma_semaphore, #tpu.memory_space<semaphore_mem>>)
    %dma_start3A_41 = arith.constant 0 : i32
    %dma_start3A_42 = tpu.memref_slice %arg18[%dma_start3A_41] : memref<128xf32, #tpu.memory_space<vmem>> -> memref<64xf32, #tpu.memory_space<vmem>>
    %dma_start3A_43 = arith.constant 0 : i32
    %dma_start3A_44 = tpu.memref_slice %arg14[%dma_start3A_43] : memref<128xi32, #tpu.memory_space<vmem>> -> memref<64xi32, #tpu.memory_space<vmem>>
    %dma_start3A_45 = arith.constant 0 : i32
    %dma_start3A_46 = tpu.memref_slice %arg2[%dma_start3A_45] : memref<409600xf32, #tpu.memory_space<hbm>> -> memref<409600xf32, #tpu.memory_space<hbm>>
    tpu.enqueue_indirect_dma source(%dma_start3A_46 : memref<409600xf32, #tpu.memory_space<hbm>>) target(%dma_start3A_42 : memref<64xf32, #tpu.memory_space<vmem>>) offsets(%dma_start3A_44 : memref<64xi32, #tpu.memory_space<vmem>>) semaphore(%arg22 : memref<!tpu.dma_semaphore, #tpu.memory_space<semaphore_mem>>)
    %scan3A_47 = arith.constant 0 : i32
    %scan3A_48 = arith.constant 4 : i32
    %scan3A_49 = arith.constant 4 : i32
    %scan3A_50 = arith.addi %scan3A_48, %scan3A_49 : i32
    %scan3A_51 = arith.constant 1 : i32
    %scan3A_52 = scf.for %scan3A_150 = %scan3A_48 to %scan3A_50 step %scan3A_51 iter_args(%scan3A_151 = %scan3A_47) -> (i32)  : i32 {
      %mul3A_152 = arith.constant 16 : i32
      %mul3A_153 = arith.muli %scan3A_150, %mul3A_152 : i32
      %get3A = arith.index_cast %mul3A_153 : i32 to index
      %get3A_154 = tpu.vector_load %arg7[%get3A] {strides = array<i32>} : memref<128xi32, #tpu.memory_space<vmem>>, vector<16xi32>,
      %get3A_155 = arith.index_cast %mul3A_153 : i32 to index
      %get3A_156 = tpu.vector_load %arg8[%get3A_155] {strides = array<i32>} : memref<128xi32, #tpu.memory_space<vmem>>, vector<16xi32>,
      %get3A_157 = arith.index_cast %mul3A_153 : i32 to index
      %get3A_158 = tpu.vector_load %arg9[%get3A_157] {strides = array<i32>} : memref<128xi32, #tpu.memory_space<vmem>>, vector<16xi32>,
      %get3A_159 = arith.index_cast %mul3A_153 : i32 to index
      %get3A_160 = tpu.vector_load %arg10[%get3A_159] {strides = array<i32>} : memref<128xi32, #tpu.memory_space<vmem>>, vector<16xi32>,
      %iota3A = tpu.iota {dimensions = array<i32: 0>} : vector<16xi32>
      %mul3A_161 = arith.constant 16 : i32
      %mul3A_162 = arith.muli %scan3A_150, %mul3A_161 : i32
      %add3A_163 = arith.addi %mul3A_2, %mul3A_162 : i32
      %add3A_164 = arith.constant 4096 : i32
      %add3A_165 = arith.addi %add3A_163, %add3A_164 : i32
      %add3A_166 = vector.broadcast %add3A_165 : i32 to vector<16xi32>
      %add3A_167 = arith.addi %iota3A, %add3A_166 : vector<16xi32>
      %shift_right_logical3A = arith.constant 7 : i32
      %shift_right_logical3A_168 = vector.broadcast %shift_right_logical3A : i32 to vector<16xi32>
      %shift_right_logical3A_169 = arith.shrui %get3A_154, %shift_right_logical3A_168 : vector<16xi32>
      %mul3A_170 = arith.constant 256 : i32
      %mul3A_171 = vector.broadcast %mul3A_170 : i32 to vector<16xi32>
      %mul3A_172 = arith.muli %shift_right_logical3A_169, %mul3A_171 : vector<16xi32>
      %and3A = arith.constant 127 : i32
      %and3A_173 = vector.broadcast %and3A : i32 to vector<16xi32>
      %and3A_174 = arith.andi %get3A_154, %and3A_173 : vector<16xi32>
      %add3A_175 = arith.addi %mul3A_172, %and3A_174 : vector<16xi32>
      %shift_right_logical3A_176 = arith.constant 7 : i32
      %shift_right_logical3A_177 = vector.broadcast %shift_right_logical3A_176 : i32 to vector<16xi32>
      %shift_right_logical3A_178 = arith.shrui %get3A_156, %shift_right_logical3A_177 : vector<16xi32>
      %mul3A_179 = arith.constant 256 : i32
      %mul3A_180 = vector.broadcast %mul3A_179 : i32 to vector<16xi32>
      %mul3A_181 = arith.muli %shift_right_logical3A_178, %mul3A_180 : vector<16xi32>
      %and3A_182 = arith.constant 127 : i32
      %and3A_183 = vector.broadcast %and3A_182 : i32 to vector<16xi32>
      %and3A_184 = arith.andi %get3A_156, %and3A_183 : vector<16xi32>
      %add3A_185 = arith.addi %mul3A_181, %and3A_184 : vector<16xi32>
      %shift_right_logical3A_186 = arith.constant 7 : i32
      %shift_right_logical3A_187 = vector.broadcast %shift_right_logical3A_186 : i32 to vector<16xi32>
      %shift_right_logical3A_188 = arith.shrui %add3A_167, %shift_right_logical3A_187 : vector<16xi32>
      %mul3A_189 = arith.constant 256 : i32
      %mul3A_190 = vector.broadcast %mul3A_189 : i32 to vector<16xi32>
      %mul3A_191 = arith.muli %shift_right_logical3A_188, %mul3A_190 : vector<16xi32>
      %and3A_192 = arith.constant 127 : i32
      %and3A_193 = vector.broadcast %and3A_192 : i32 to vector<16xi32>
      %and3A_194 = arith.andi %add3A_167, %and3A_193 : vector<16xi32>
      %add3A_195 = arith.addi %mul3A_191, %and3A_194 : vector<16xi32>
      %mul3A_196 = arith.constant 16384 : i32
      %mul3A_197 = vector.broadcast %mul3A_196 : i32 to vector<16xi32>
      %mul3A_198 = arith.muli %get3A_158, %mul3A_197 : vector<16xi32>
      %add3A_199 = arith.addi %mul3A_198, %add3A_175 : vector<16xi32>
      %swap3A = arith.index_cast %mul3A_153 : i32 to index
      %swap3A_200 = tpu.vector_load %arg11[%swap3A] {strides = array<i32>} : memref<128xi32, #tpu.memory_space<vmem>>, vector<16xi32>,
      tpu.vector_store %arg11[%swap3A], %add3A_199 {strides = array<i32>} : memref<128xi32, #tpu.memory_space<vmem>>, vector<16xi32>,
      %mul3A_201 = arith.constant 16384 : i32
      %mul3A_202 = vector.broadcast %mul3A_201 : i32 to vector<16xi32>
      %mul3A_203 = arith.muli %get3A_160, %mul3A_202 : vector<16xi32>
      %add3A_204 = arith.addi %mul3A_203, %add3A_185 : vector<16xi32>
      %add3A_205 = arith.constant 128 : i32
      %add3A_206 = vector.broadcast %add3A_205 : i32 to vector<16xi32>
      %add3A_207 = arith.addi %add3A_204, %add3A_206 : vector<16xi32>
      %swap3A_208 = arith.index_cast %mul3A_153 : i32 to index
      %swap3A_209 = tpu.vector_load %arg12[%swap3A_208] {strides = array<i32>} : memref<128xi32, #tpu.memory_space<vmem>>, vector<16xi32>,
      tpu.vector_store %arg12[%swap3A_208], %add3A_207 {strides = array<i32>} : memref<128xi32, #tpu.memory_space<vmem>>, vector<16xi32>,
      %mul3A_210 = arith.constant 16384 : i32
      %mul3A_211 = vector.broadcast %mul3A_210 : i32 to vector<16xi32>
      %mul3A_212 = arith.muli %get3A_158, %mul3A_211 : vector<16xi32>
      %add3A_213 = arith.addi %mul3A_212, %add3A_195 : vector<16xi32>
      %add3A_214 = arith.constant 128 : i32
      %add3A_215 = vector.broadcast %add3A_214 : i32 to vector<16xi32>
      %add3A_216 = arith.addi %add3A_213, %add3A_215 : vector<16xi32>
      %swap3A_217 = arith.index_cast %mul3A_153 : i32 to index
      %swap3A_218 = tpu.vector_load %arg13[%swap3A_217] {strides = array<i32>} : memref<128xi32, #tpu.memory_space<vmem>>, vector<16xi32>,
      tpu.vector_store %arg13[%swap3A_217], %add3A_216 {strides = array<i32>} : memref<128xi32, #tpu.memory_space<vmem>>, vector<16xi32>,
      %mul3A_219 = arith.constant 16384 : i32
      %mul3A_220 = vector.broadcast %mul3A_219 : i32 to vector<16xi32>
      %mul3A_221 = arith.muli %get3A_160, %mul3A_220 : vector<16xi32>
      %add3A_222 = arith.addi %mul3A_221, %add3A_195 : vector<16xi32>
      %swap3A_223 = arith.index_cast %mul3A_153 : i32 to index
      %swap3A_224 = tpu.vector_load %arg14[%swap3A_223] {strides = array<i32>} : memref<128xi32, #tpu.memory_space<vmem>>, vector<16xi32>,
      tpu.vector_store %arg14[%swap3A_223], %add3A_222 {strides = array<i32>} : memref<128xi32, #tpu.memory_space<vmem>>, vector<16xi32>,
      %ne3A = arith.cmpi ne, %get3A_158, %get3A_160 : vector<16xi32>
      %jit3A = arith.constant 0.000000e+00 : f32
      %jit3A_225 = arith.constant -1.000000e+30 : f32
      %broadcast_in_dim3A = vector.broadcast %jit3A : f32 to vector<16xf32>
      %broadcast_in_dim3A_226 = vector.broadcast %jit3A_225 : f32 to vector<16xf32>
      %select_n3A = arith.select %ne3A, %broadcast_in_dim3A, %broadcast_in_dim3A_226 : vector<16xi1>, vector<16xf32>
      %swap3A_227 = arith.index_cast %mul3A_153 : i32 to index
      %swap3A_228 = tpu.vector_load %arg19[%swap3A_227] {strides = array<i32>} : memref<128xf32, #tpu.memory_space<vmem>>, vector<16xf32>,
      tpu.vector_store %arg19[%swap3A_227], %select_n3A {strides = array<i32>} : memref<128xf32, #tpu.memory_space<vmem>>, vector<16xf32>,
      %scan3A_229 = arith.constant 0 : i32
      scf.yield %scan3A_229 : i32
    }
    %scan3A_53 = arith.constant 4 : i32
    %dma_start3A_54 = arith.constant 64 : i32
    %dma_start3A_55 = tpu.memref_slice %arg15[%dma_start3A_54] : memref<128xf32, #tpu.memory_space<vmem>> -> memref<64xf32, #tpu.memory_space<vmem>>
    %dma_start3A_56 = arith.constant 64 : i32
    %dma_start3A_57 = tpu.memref_slice %arg11[%dma_start3A_56] : memref<128xi32, #tpu.memory_space<vmem>> -> memref<64xi32, #tpu.memory_space<vmem>>
    %dma_start3A_58 = arith.constant 0 : i32
    %dma_start3A_59 = tpu.memref_slice %arg2[%dma_start3A_58] : memref<409600xf32, #tpu.memory_space<hbm>> -> memref<409600xf32, #tpu.memory_space<hbm>>
    tpu.enqueue_indirect_dma source(%dma_start3A_59 : memref<409600xf32, #tpu.memory_space<hbm>>) target(%dma_start3A_55 : memref<64xf32, #tpu.memory_space<vmem>>) offsets(%dma_start3A_57 : memref<64xi32, #tpu.memory_space<vmem>>) semaphore(%arg23 : memref<!tpu.dma_semaphore, #tpu.memory_space<semaphore_mem>>)
    %dma_start3A_60 = arith.constant 64 : i32
    %dma_start3A_61 = tpu.memref_slice %arg16[%dma_start3A_60] : memref<128xf32, #tpu.memory_space<vmem>> -> memref<64xf32, #tpu.memory_space<vmem>>
    %dma_start3A_62 = arith.constant 64 : i32
    %dma_start3A_63 = tpu.memref_slice %arg12[%dma_start3A_62] : memref<128xi32, #tpu.memory_space<vmem>> -> memref<64xi32, #tpu.memory_space<vmem>>
    %dma_start3A_64 = arith.constant 0 : i32
    %dma_start3A_65 = tpu.memref_slice %arg2[%dma_start3A_64] : memref<409600xf32, #tpu.memory_space<hbm>> -> memref<409600xf32, #tpu.memory_space<hbm>>
    tpu.enqueue_indirect_dma source(%dma_start3A_65 : memref<409600xf32, #tpu.memory_space<hbm>>) target(%dma_start3A_61 : memref<64xf32, #tpu.memory_space<vmem>>) offsets(%dma_start3A_63 : memref<64xi32, #tpu.memory_space<vmem>>) semaphore(%arg23 : memref<!tpu.dma_semaphore, #tpu.memory_space<semaphore_mem>>)
    %dma_start3A_66 = arith.constant 64 : i32
    %dma_start3A_67 = tpu.memref_slice %arg17[%dma_start3A_66] : memref<128xf32, #tpu.memory_space<vmem>> -> memref<64xf32, #tpu.memory_space<vmem>>
    %dma_start3A_68 = arith.constant 64 : i32
    %dma_start3A_69 = tpu.memref_slice %arg13[%dma_start3A_68] : memref<128xi32, #tpu.memory_space<vmem>> -> memref<64xi32, #tpu.memory_space<vmem>>
    %dma_start3A_70 = arith.constant 0 : i32
    %dma_start3A_71 = tpu.memref_slice %arg2[%dma_start3A_70] : memref<409600xf32, #tpu.memory_space<hbm>> -> memref<409600xf32, #tpu.memory_space<hbm>>
    tpu.enqueue_indirect_dma source(%dma_start3A_71 : memref<409600xf32, #tpu.memory_space<hbm>>) target(%dma_start3A_67 : memref<64xf32, #tpu.memory_space<vmem>>) offsets(%dma_start3A_69 : memref<64xi32, #tpu.memory_space<vmem>>) semaphore(%arg23 : memref<!tpu.dma_semaphore, #tpu.memory_space<semaphore_mem>>)
    %dma_start3A_72 = arith.constant 64 : i32
    %dma_start3A_73 = tpu.memref_slice %arg18[%dma_start3A_72] : memref<128xf32, #tpu.memory_space<vmem>> -> memref<64xf32, #tpu.memory_space<vmem>>
    %dma_start3A_74 = arith.constant 64 : i32
    %dma_start3A_75 = tpu.memref_slice %arg14[%dma_start3A_74] : memref<128xi32, #tpu.memory_space<vmem>> -> memref<64xi32, #tpu.memory_space<vmem>>
    %dma_start3A_76 = arith.constant 0 : i32
    %dma_start3A_77 = tpu.memref_slice %arg2[%dma_start3A_76] : memref<409600xf32, #tpu.memory_space<hbm>> -> memref<409600xf32, #tpu.memory_space<hbm>>
    tpu.enqueue_indirect_dma source(%dma_start3A_77 : memref<409600xf32, #tpu.memory_space<hbm>>) target(%dma_start3A_73 : memref<64xf32, #tpu.memory_space<vmem>>) offsets(%dma_start3A_75 : memref<64xi32, #tpu.memory_space<vmem>>) semaphore(%arg23 : memref<!tpu.dma_semaphore, #tpu.memory_space<semaphore_mem>>)
    %dma_wait3A_78 = arith.constant 0 : i32
    %dma_wait3A_79 = tpu.memref_slice %arg15[%dma_wait3A_78] : memref<128xf32, #tpu.memory_space<vmem>> -> memref<64xf32, #tpu.memory_space<vmem>>
    %dma_wait3A_80 = arith.constant 0 : i32
    %dma_wait3A_81 = tpu.memref_slice %arg11[%dma_wait3A_80] : memref<128xi32, #tpu.memory_space<vmem>> -> memref<64xi32, #tpu.memory_space<vmem>>
    %dma_wait3A_82 = arith.constant 0 : i32
    %dma_wait3A_83 = tpu.memref_slice %arg2[%dma_wait3A_82] : memref<409600xf32, #tpu.memory_space<hbm>> -> memref<409600xf32, #tpu.memory_space<hbm>>
    tpu.wait_indirect_dma semaphore(%arg22 : memref<!tpu.dma_semaphore, #tpu.memory_space<semaphore_mem>>) src(%dma_wait3A_83 : memref<409600xf32, #tpu.memory_space<hbm>>) dst(%dma_wait3A_79 : memref<64xf32, #tpu.memory_space<vmem>>)
    %dma_wait3A_84 = arith.constant 0 : i32
    %dma_wait3A_85 = tpu.memref_slice %arg16[%dma_wait3A_84] : memref<128xf32, #tpu.memory_space<vmem>> -> memref<64xf32, #tpu.memory_space<vmem>>
    %dma_wait3A_86 = arith.constant 0 : i32
    %dma_wait3A_87 = tpu.memref_slice %arg12[%dma_wait3A_86] : memref<128xi32, #tpu.memory_space<vmem>> -> memref<64xi32, #tpu.memory_space<vmem>>
    %dma_wait3A_88 = arith.constant 0 : i32
    %dma_wait3A_89 = tpu.memref_slice %arg2[%dma_wait3A_88] : memref<409600xf32, #tpu.memory_space<hbm>> -> memref<409600xf32, #tpu.memory_space<hbm>>
    tpu.wait_indirect_dma semaphore(%arg22 : memref<!tpu.dma_semaphore, #tpu.memory_space<semaphore_mem>>) src(%dma_wait3A_89 : memref<409600xf32, #tpu.memory_space<hbm>>) dst(%dma_wait3A_85 : memref<64xf32, #tpu.memory_space<vmem>>)
    %dma_wait3A_90 = arith.constant 0 : i32
    %dma_wait3A_91 = tpu.memref_slice %arg17[%dma_wait3A_90] : memref<128xf32, #tpu.memory_space<vmem>> -> memref<64xf32, #tpu.memory_space<vmem>>
    %dma_wait3A_92 = arith.constant 0 : i32
    %dma_wait3A_93 = tpu.memref_slice %arg13[%dma_wait3A_92] : memref<128xi32, #tpu.memory_space<vmem>> -> memref<64xi32, #tpu.memory_space<vmem>>
    %dma_wait3A_94 = arith.constant 0 : i32
    %dma_wait3A_95 = tpu.memref_slice %arg2[%dma_wait3A_94] : memref<409600xf32, #tpu.memory_space<hbm>> -> memref<409600xf32, #tpu.memory_space<hbm>>
    tpu.wait_indirect_dma semaphore(%arg22 : memref<!tpu.dma_semaphore, #tpu.memory_space<semaphore_mem>>) src(%dma_wait3A_95 : memref<409600xf32, #tpu.memory_space<hbm>>) dst(%dma_wait3A_91 : memref<64xf32, #tpu.memory_space<vmem>>)
    %dma_wait3A_96 = arith.constant 0 : i32
    %dma_wait3A_97 = tpu.memref_slice %arg18[%dma_wait3A_96] : memref<128xf32, #tpu.memory_space<vmem>> -> memref<64xf32, #tpu.memory_space<vmem>>
    %dma_wait3A_98 = arith.constant 0 : i32
    %dma_wait3A_99 = tpu.memref_slice %arg14[%dma_wait3A_98] : memref<128xi32, #tpu.memory_space<vmem>> -> memref<64xi32, #tpu.memory_space<vmem>>
    %dma_wait3A_100 = arith.constant 0 : i32
    %dma_wait3A_101 = tpu.memref_slice %arg2[%dma_wait3A_100] : memref<409600xf32, #tpu.memory_space<hbm>> -> memref<409600xf32, #tpu.memory_space<hbm>>
    tpu.wait_indirect_dma semaphore(%arg22 : memref<!tpu.dma_semaphore, #tpu.memory_space<semaphore_mem>>) src(%dma_wait3A_101 : memref<409600xf32, #tpu.memory_space<hbm>>) dst(%dma_wait3A_97 : memref<64xf32, #tpu.memory_space<vmem>>)
    %scan3A_102 = arith.constant 0 : i32
    %scan3A_103 = arith.constant 0 : i32
    %scan3A_104 = arith.constant 4 : i32
    %scan3A_105 = arith.addi %scan3A_103, %scan3A_104 : i32
    %scan3A_106 = arith.constant 1 : i32
    %scan3A_107 = scf.for %scan3A_150 = %scan3A_103 to %scan3A_105 step %scan3A_106 iter_args(%scan3A_151 = %scan3A_102) -> (i32)  : i32 {
      %mul3A_152 = arith.constant 16 : i32
      %mul3A_153 = arith.muli %scan3A_150, %mul3A_152 : i32
      %get3A = arith.index_cast %mul3A_153 : i32 to index
      %get3A_154 = tpu.vector_load %arg17[%get3A] {strides = array<i32>} : memref<128xf32, #tpu.memory_space<vmem>>, vector<16xf32>,
      %get3A_155 = arith.index_cast %mul3A_153 : i32 to index
      %get3A_156 = tpu.vector_load %arg15[%get3A_155] {strides = array<i32>} : memref<128xf32, #tpu.memory_space<vmem>>, vector<16xf32>,
      %sub3A = arith.subf %get3A_154, %get3A_156 : vector<16xf32>
      %get3A_157 = arith.index_cast %mul3A_153 : i32 to index
      %get3A_158 = tpu.vector_load %arg19[%get3A_157] {strides = array<i32>} : memref<128xf32, #tpu.memory_space<vmem>>, vector<16xf32>,
      %add3A_159 = arith.addf %sub3A, %get3A_158 : vector<16xf32>
      %swap3A = arith.index_cast %mul3A_153 : i32 to index
      %swap3A_160 = tpu.vector_load %arg20[%swap3A] {strides = array<i32>} : memref<128xf32, #tpu.memory_space<vmem>>, vector<16xf32>,
      tpu.vector_store %arg20[%swap3A], %add3A_159 {strides = array<i32>} : memref<128xf32, #tpu.memory_space<vmem>>, vector<16xf32>,
      %get3A_161 = arith.index_cast %mul3A_153 : i32 to index
      %get3A_162 = tpu.vector_load %arg18[%get3A_161] {strides = array<i32>} : memref<128xf32, #tpu.memory_space<vmem>>, vector<16xf32>,
      %get3A_163 = arith.index_cast %mul3A_153 : i32 to index
      %get3A_164 = tpu.vector_load %arg16[%get3A_163] {strides = array<i32>} : memref<128xf32, #tpu.memory_space<vmem>>, vector<16xf32>,
      %sub3A_165 = arith.subf %get3A_162, %get3A_164 : vector<16xf32>
      %get3A_166 = arith.index_cast %mul3A_153 : i32 to index
      %get3A_167 = tpu.vector_load %arg19[%get3A_166] {strides = array<i32>} : memref<128xf32, #tpu.memory_space<vmem>>, vector<16xf32>,
      %add3A_168 = arith.addf %sub3A_165, %get3A_167 : vector<16xf32>
      %swap3A_169 = arith.index_cast %mul3A_153 : i32 to index
      %swap3A_170 = tpu.vector_load %arg21[%swap3A_169] {strides = array<i32>} : memref<128xf32, #tpu.memory_space<vmem>>, vector<16xf32>,
      tpu.vector_store %arg21[%swap3A_169], %add3A_168 {strides = array<i32>} : memref<128xf32, #tpu.memory_space<vmem>>, vector<16xf32>,
      %scan3A_171 = arith.constant 0 : i32
      scf.yield %scan3A_171 : i32
    }
    %scan3A_108 = arith.constant 4 : i32
    %dma_wait3A_109 = arith.constant 64 : i32
    %dma_wait3A_110 = tpu.memref_slice %arg15[%dma_wait3A_109] : memref<128xf32, #tpu.memory_space<vmem>> -> memref<64xf32, #tpu.memory_space<vmem>>
    %dma_wait3A_111 = arith.constant 64 : i32
    %dma_wait3A_112 = tpu.memref_slice %arg11[%dma_wait3A_111] : memref<128xi32, #tpu.memory_space<vmem>> -> memref<64xi32, #tpu.memory_space<vmem>>
    %dma_wait3A_113 = arith.constant 0 : i32
    %dma_wait3A_114 = tpu.memref_slice %arg2[%dma_wait3A_113] : memref<409600xf32, #tpu.memory_space<hbm>> -> memref<409600xf32, #tpu.memory_space<hbm>>
    tpu.wait_indirect_dma semaphore(%arg23 : memref<!tpu.dma_semaphore, #tpu.memory_space<semaphore_mem>>) src(%dma_wait3A_114 : memref<409600xf32, #tpu.memory_space<hbm>>) dst(%dma_wait3A_110 : memref<64xf32, #tpu.memory_space<vmem>>)
    %dma_wait3A_115 = arith.constant 64 : i32
    %dma_wait3A_116 = tpu.memref_slice %arg16[%dma_wait3A_115] : memref<128xf32, #tpu.memory_space<vmem>> -> memref<64xf32, #tpu.memory_space<vmem>>
    %dma_wait3A_117 = arith.constant 64 : i32
    %dma_wait3A_118 = tpu.memref_slice %arg12[%dma_wait3A_117] : memref<128xi32, #tpu.memory_space<vmem>> -> memref<64xi32, #tpu.memory_space<vmem>>
    %dma_wait3A_119 = arith.constant 0 : i32
    %dma_wait3A_120 = tpu.memref_slice %arg2[%dma_wait3A_119] : memref<409600xf32, #tpu.memory_space<hbm>> -> memref<409600xf32, #tpu.memory_space<hbm>>
    tpu.wait_indirect_dma semaphore(%arg23 : memref<!tpu.dma_semaphore, #tpu.memory_space<semaphore_mem>>) src(%dma_wait3A_120 : memref<409600xf32, #tpu.memory_space<hbm>>) dst(%dma_wait3A_116 : memref<64xf32, #tpu.memory_space<vmem>>)
    %dma_wait3A_121 = arith.constant 64 : i32
    %dma_wait3A_122 = tpu.memref_slice %arg17[%dma_wait3A_121] : memref<128xf32, #tpu.memory_space<vmem>> -> memref<64xf32, #tpu.memory_space<vmem>>
    %dma_wait3A_123 = arith.constant 64 : i32
    %dma_wait3A_124 = tpu.memref_slice %arg13[%dma_wait3A_123] : memref<128xi32, #tpu.memory_space<vmem>> -> memref<64xi32, #tpu.memory_space<vmem>>
    %dma_wait3A_125 = arith.constant 0 : i32
    %dma_wait3A_126 = tpu.memref_slice %arg2[%dma_wait3A_125] : memref<409600xf32, #tpu.memory_space<hbm>> -> memref<409600xf32, #tpu.memory_space<hbm>>
    tpu.wait_indirect_dma semaphore(%arg23 : memref<!tpu.dma_semaphore, #tpu.memory_space<semaphore_mem>>) src(%dma_wait3A_126 : memref<409600xf32, #tpu.memory_space<hbm>>) dst(%dma_wait3A_122 : memref<64xf32, #tpu.memory_space<vmem>>)
    %dma_wait3A_127 = arith.constant 64 : i32
    %dma_wait3A_128 = tpu.memref_slice %arg18[%dma_wait3A_127] : memref<128xf32, #tpu.memory_space<vmem>> -> memref<64xf32, #tpu.memory_space<vmem>>
    %dma_wait3A_129 = arith.constant 64 : i32
    %dma_wait3A_130 = tpu.memref_slice %arg14[%dma_wait3A_129] : memref<128xi32, #tpu.memory_space<vmem>> -> memref<64xi32, #tpu.memory_space<vmem>>
    %dma_wait3A_131 = arith.constant 0 : i32
    %dma_wait3A_132 = tpu.memref_slice %arg2[%dma_wait3A_131] : memref<409600xf32, #tpu.memory_space<hbm>> -> memref<409600xf32, #tpu.memory_space<hbm>>
    tpu.wait_indirect_dma semaphore(%arg23 : memref<!tpu.dma_semaphore, #tpu.memory_space<semaphore_mem>>) src(%dma_wait3A_132 : memref<409600xf32, #tpu.memory_space<hbm>>) dst(%dma_wait3A_128 : memref<64xf32, #tpu.memory_space<vmem>>)
    %scan3A_133 = arith.constant 0 : i32
    %scan3A_134 = arith.constant 4 : i32
    %scan3A_135 = arith.constant 4 : i32
    %scan3A_136 = arith.addi %scan3A_134, %scan3A_135 : i32
    %scan3A_137 = arith.constant 1 : i32
    %scan3A_138 = scf.for %scan3A_150 = %scan3A_134 to %scan3A_136 step %scan3A_137 iter_args(%scan3A_151 = %scan3A_133) -> (i32)  : i32 {
      %mul3A_152 = arith.constant 16 : i32
      %mul3A_153 = arith.muli %scan3A_150, %mul3A_152 : i32
      %get3A = arith.index_cast %mul3A_153 : i32 to index
      %get3A_154 = tpu.vector_load %arg17[%get3A] {strides = array<i32>} : memref<128xf32, #tpu.memory_space<vmem>>, vector<16xf32>,
      %get3A_155 = arith.index_cast %mul3A_153 : i32 to index
      %get3A_156 = tpu.vector_load %arg15[%get3A_155] {strides = array<i32>} : memref<128xf32, #tpu.memory_space<vmem>>, vector<16xf32>,
      %sub3A = arith.subf %get3A_154, %get3A_156 : vector<16xf32>
      %get3A_157 = arith.index_cast %mul3A_153 : i32 to index
      %get3A_158 = tpu.vector_load %arg19[%get3A_157] {strides = array<i32>} : memref<128xf32, #tpu.memory_space<vmem>>, vector<16xf32>,
      %add3A_159 = arith.addf %sub3A, %get3A_158 : vector<16xf32>
      %swap3A = arith.index_cast %mul3A_153 : i32 to index
      %swap3A_160 = tpu.vector_load %arg20[%swap3A] {strides = array<i32>} : memref<128xf32, #tpu.memory_space<vmem>>, vector<16xf32>,
      tpu.vector_store %arg20[%swap3A], %add3A_159 {strides = array<i32>} : memref<128xf32, #tpu.memory_space<vmem>>, vector<16xf32>,
      %get3A_161 = arith.index_cast %mul3A_153 : i32 to index
      %get3A_162 = tpu.vector_load %arg18[%get3A_161] {strides = array<i32>} : memref<128xf32, #tpu.memory_space<vmem>>, vector<16xf32>,
      %get3A_163 = arith.index_cast %mul3A_153 : i32 to index
      %get3A_164 = tpu.vector_load %arg16[%get3A_163] {strides = array<i32>} : memref<128xf32, #tpu.memory_space<vmem>>, vector<16xf32>,
      %sub3A_165 = arith.subf %get3A_162, %get3A_164 : vector<16xf32>
      %get3A_166 = arith.index_cast %mul3A_153 : i32 to index
      %get3A_167 = tpu.vector_load %arg19[%get3A_166] {strides = array<i32>} : memref<128xf32, #tpu.memory_space<vmem>>, vector<16xf32>,
      %add3A_168 = arith.addf %sub3A_165, %get3A_167 : vector<16xf32>
      %swap3A_169 = arith.index_cast %mul3A_153 : i32 to index
      %swap3A_170 = tpu.vector_load %arg21[%swap3A_169] {strides = array<i32>} : memref<128xf32, #tpu.memory_space<vmem>>, vector<16xf32>,
      tpu.vector_store %arg21[%swap3A_169], %add3A_168 {strides = array<i32>} : memref<128xf32, #tpu.memory_space<vmem>>, vector<16xf32>,
      %scan3A_171 = arith.constant 0 : i32
      scf.yield %scan3A_171 : i32
    }
    %scan3A_139 = arith.constant 4 : i32
    %dma_start3A_140 = tpu.memref_slice %arg6[%mul3A_2] : memref<8192xf32, #tpu.memory_space<hbm>> -> memref<128xf32, #tpu.memory_space<hbm>>
    %dma_start3A_141 = tpu.memref_slice %arg6[%mul3A_2] : memref<8192xf32, #tpu.memory_space<hbm>> -> memref<128xf32, #tpu.memory_space<hbm>>
    tpu.enqueue_dma source(%arg20 : memref<128xf32, #tpu.memory_space<vmem>>) target(%dma_start3A_141 : memref<128xf32, #tpu.memory_space<hbm>>) target_semaphore(%arg22 : memref<!tpu.dma_semaphore, #tpu.memory_space<semaphore_mem>>)
    %add3A_142 = arith.constant 4096 : i32
    %add3A_143 = arith.addi %add3A_142, %mul3A_2 : i32
    %dma_start3A_144 = tpu.memref_slice %arg6[%add3A_143] : memref<8192xf32, #tpu.memory_space<hbm>> -> memref<128xf32, #tpu.memory_space<hbm>>
    %dma_start3A_145 = tpu.memref_slice %arg6[%add3A_143] : memref<8192xf32, #tpu.memory_space<hbm>> -> memref<128xf32, #tpu.memory_space<hbm>>
    tpu.enqueue_dma source(%arg21 : memref<128xf32, #tpu.memory_space<vmem>>) target(%dma_start3A_145 : memref<128xf32, #tpu.memory_space<hbm>>) target_semaphore(%arg22 : memref<!tpu.dma_semaphore, #tpu.memory_space<semaphore_mem>>)
    %dma_wait3A_146 = tpu.memref_slice %arg6[%mul3A_2] : memref<8192xf32, #tpu.memory_space<hbm>> -> memref<128xf32, #tpu.memory_space<hbm>>
    %dma_wait3A_147 = tpu.memref_slice %arg6[%mul3A_2] : memref<8192xf32, #tpu.memory_space<hbm>> -> memref<128xf32, #tpu.memory_space<hbm>>
    tpu.wait_dma2 semaphore(%arg22 : memref<!tpu.dma_semaphore, #tpu.memory_space<semaphore_mem>>) src(%arg20 : memref<128xf32, #tpu.memory_space<vmem>>) dst(%dma_wait3A_147 : memref<128xf32, #tpu.memory_space<hbm>>)
    %dma_wait3A_148 = tpu.memref_slice %arg6[%add3A_143] : memref<8192xf32, #tpu.memory_space<hbm>> -> memref<128xf32, #tpu.memory_space<hbm>>
    %dma_wait3A_149 = tpu.memref_slice %arg6[%add3A_143] : memref<8192xf32, #tpu.memory_space<hbm>> -> memref<128xf32, #tpu.memory_space<hbm>>
    tpu.wait_dma2 semaphore(%arg22 : memref<!tpu.dma_semaphore, #tpu.memory_space<semaphore_mem>>) src(%arg21 : memref<128xf32, #tpu.memory_space<vmem>>) dst(%dma_wait3A_149 : memref<128xf32, #tpu.memory_space<hbm>>)
    return
  }
}

module attributes {stable_mosaic.version = 14 : i64} {
  func.func @_pool_body(%arg0: i32, %arg1: memref<50x5x128x128xf32, #tpu.memory_space<vmem>>, %arg2: memref<25x4096xf32, #tpu.memory_space<vmem>>, %arg3: memref<5x128x128xf32, #tpu.memory_space<vmem>>, %arg4: memref<1x4096xi32, #tpu.memory_space<vmem>>) attributes {dimension_semantics = [#tpu.dimension_semantics<arbitrary>], iteration_bounds = array<i64: 5>, scalar_prefetch = 0 : i64, scratch_operands = 0 : i64, tpu.core_type = #tpu.core_type<tc>, window_params = [{transform_indices = @transform_0, window_bounds = array<i64: 50, 5, 128, 128>}, {pipeline_mode = #tpu.pipeline_mode<synchronous>, transform_indices = @transform_1, window_bounds = array<i64: 25, 4096>}, {transform_indices = @transform_2, window_bounds = array<i64: 5, 128, 128>}, {pipeline_mode = #tpu.pipeline_mode<synchronous>, transform_indices = @transform_3, window_bounds = array<i64: 1, 4096>}]} {
    %get3A = arith.constant 0 : index
    %get3A_0 = arith.constant 0 : index
    %get3A_1 = arith.constant 0 : index
    %get3A_2 = arith.constant 0 : index
    %get3A_3 = vector.load %arg1[%get3A, %get3A_0, %get3A_1, %get3A_2] : memref<50x5x128x128xf32, #tpu.memory_space<vmem>>, vector<50x5x128x128xf32>
    %reduce_max3A = arith.constant dense<0xFF800000> : vector<5x128x128xf32>
    %reduce_max3A_4 = vector.multi_reduction <maximumf>, %get3A_3, %reduce_max3A [0] : vector<50x5x128x128xf32> to vector<5x128x128xf32>
    %swap3A = arith.constant 0 : index
    %swap3A_5 = arith.constant 0 : index
    %swap3A_6 = arith.constant 0 : index
    %swap3A_7 = vector.load %arg3[%swap3A, %swap3A_5, %swap3A_6] : memref<5x128x128xf32, #tpu.memory_space<vmem>>, vector<5x128x128xf32>
    tpu.vector_store %arg3[%swap3A, %swap3A_5, %swap3A_6], %reduce_max3A_4 {strides = array<i32>} : memref<5x128x128xf32, #tpu.memory_space<vmem>>, vector<5x128x128xf32>,
    %eq3A = arith.constant 0 : i32
    %eq3A_8 = arith.cmpi eq, %arg0, %eq3A : i32
    %convert_element_type3A = arith.extui %eq3A_8 : i1 to i32
    %cond3A = arith.constant 0 : i32
    %cond3A_9 = arith.cmpi ne, %convert_element_type3A, %cond3A : i32
    scf.if %cond3A_9 {
      %get3A_10 = arith.constant 0 : index
      %get3A_11 = arith.constant 0 : index
      %get3A_12 = vector.load %arg2[%get3A_10, %get3A_11] : memref<25x4096xf32, #tpu.memory_space<vmem>>, vector<25x4096xf32>
      %iota3A = tpu.iota {dimensions = array<i32: 0>} : vector<25x4096xi32>
      %convert_element_type3A_13 = arith.sitofp %iota3A : vector<25x4096xi32> to vector<25x4096xf32>
      %mul3A = arith.mulf %get3A_12, %convert_element_type3A_13 : vector<25x4096xf32>
      %reduce_sum3A = arith.constant dense<0.000000e+00> : vector<4096xf32>
      %reduce_sum3A_14 = vector.multi_reduction <add>, %mul3A, %reduce_sum3A [0] : vector<25x4096xf32> to vector<4096xf32>
      %broadcast_in_dim3A = vector.shape_cast %reduce_sum3A_14 : vector<4096xf32> to vector<1x4096xf32>
      %convert_element_type3A_15 = arith.fptosi %broadcast_in_dim3A : vector<1x4096xf32> to vector<1x4096xi32>
      %swap3A_16 = arith.constant 0 : index
      %swap3A_17 = arith.constant 0 : index
      %swap3A_18 = vector.load %arg4[%swap3A_16, %swap3A_17] : memref<1x4096xi32, #tpu.memory_space<vmem>>, vector<1x4096xi32>
      tpu.vector_store %arg4[%swap3A_16, %swap3A_17], %convert_element_type3A_15 {strides = array<i32>} : memref<1x4096xi32, #tpu.memory_space<vmem>>, vector<1x4096xi32>,
    } else {
    }
    return
  }
  func.func @transform_0(%arg0: i32) -> (i32, i32, i32, i32) {
    %c0_i32 = arith.constant 0 : i32
    %c0_i32_0 = arith.constant 0 : i32
    %c0_i32_1 = arith.constant 0 : i32
    %c0_i32_2 = arith.constant 0 : i32
    return %c0_i32, %arg0, %c0_i32_0, %c0_i32_1 : i32, i32, i32, i32
  }
  func.func @transform_1(%arg0: i32) -> (i32, i32) {
    %c0_i32 = arith.constant 0 : i32
    %c0_i32_0 = arith.constant 0 : i32
    %c0_i32_1 = arith.constant 0 : i32
    return %c0_i32, %c0_i32_0 : i32, i32
  }
  func.func @transform_2(%arg0: i32) -> (i32, i32, i32) {
    %c0_i32 = arith.constant 0 : i32
    %c0_i32_0 = arith.constant 0 : i32
    %c0_i32_1 = arith.constant 0 : i32
    return %arg0, %c0_i32, %c0_i32_0 : i32, i32, i32
  }
  func.func @transform_3(%arg0: i32) -> (i32, i32) {
    %c0_i32 = arith.constant 0 : i32
    %c0_i32_0 = arith.constant 0 : i32
    %c0_i32_1 = arith.constant 0 : i32
    return %c0_i32, %c0_i32_0 : i32, i32
  }
}

module attributes {stable_mosaic.version = 14 : i64} {
  func.func @_final_body(%arg0: memref<64x128xf32, #tpu.memory_space<vmem>>, %arg1: memref<1x1xf32, #tpu.memory_space<vmem>>) attributes {dimension_semantics = [], scalar_prefetch = 0 : i64, scratch_operands = 0 : i64, tpu.core_type = #tpu.core_type<tc>} {
    %get3A = arith.constant 0 : index
    %get3A_0 = arith.constant 0 : index
    %get3A_1 = vector.load %arg0[%get3A, %get3A_0] : memref<64x128xf32, #tpu.memory_space<vmem>>, vector<64x128xf32>
    %max3A = arith.constant 0.000000e+00 : f32
    %max3A_2 = vector.broadcast %max3A : f32 to vector<64x128xf32>
    %max3A_3 = arith.maximumf %get3A_1, %max3A_2 : vector<64x128xf32>
    %abs3A = math.absf %get3A_1 : vector<64x128xf32>
    %neg3A = arith.constant 0.000000e+00 : f32
    %neg3A_4 = vector.broadcast %neg3A : f32 to vector<64x128xf32>
    %neg3A_5 = arith.subf %neg3A_4, %abs3A : vector<64x128xf32>
    %exp3A = math.exp %neg3A_5 : vector<64x128xf32>
    %log1p3A = math.log1p %exp3A : vector<64x128xf32>
    %add3A = arith.addf %max3A_3, %log1p3A : vector<64x128xf32>
    %reduce_sum3A = vector.shape_cast %add3A : vector<64x128xf32> to vector<1x64x128xf32>
    %reduce_sum3A_6 = arith.constant dense<0.000000e+00> : vector<1xf32>
    %reduce_sum3A_7 = vector.multi_reduction <add>, %reduce_sum3A, %reduce_sum3A_6 [1, 2] : vector<1x64x128xf32> to vector<1xf32>
    %reduce_sum3A_8 = vector.shape_cast %reduce_sum3A_7 : vector<1xf32> to vector<1x1x1xf32>
    %reduce_sum3A_9 = vector.extract %reduce_sum3A_8[0, 0, 0] : f32 from vector<1x1x1xf32>
    %gt3A = arith.constant -1.000000e+29 : f32
    %gt3A_10 = vector.broadcast %gt3A : f32 to vector<64x128xf32>
    %gt3A_11 = arith.cmpf ogt, %get3A_1, %gt3A_10 : vector<64x128xf32>
    %convert_element_type3A = arith.extui %gt3A_11 : vector<64x128xi1> to vector<64x128xi32>
    %convert_element_type3A_12 = arith.sitofp %convert_element_type3A : vector<64x128xi32> to vector<64x128xf32>
    %reduce_sum3A_13 = vector.shape_cast %convert_element_type3A_12 : vector<64x128xf32> to vector<1x64x128xf32>
    %reduce_sum3A_14 = arith.constant dense<0.000000e+00> : vector<1xf32>
    %reduce_sum3A_15 = vector.multi_reduction <add>, %reduce_sum3A_13, %reduce_sum3A_14 [1, 2] : vector<1x64x128xf32> to vector<1xf32>
    %reduce_sum3A_16 = vector.shape_cast %reduce_sum3A_15 : vector<1xf32> to vector<1x1x1xf32>
    %reduce_sum3A_17 = vector.extract %reduce_sum3A_16[0, 0, 0] : f32 from vector<1x1x1xf32>
    %mul3A = arith.constant 5.000000e-01 : f32
    %mul3A_18 = arith.mulf %mul3A, %reduce_sum3A_17 : f32
    %max3A_19 = arith.constant 1.000000e+00 : f32
    %max3A_20 = arith.maximumf %mul3A_18, %max3A_19 : f32
    %div3A = arith.divf %reduce_sum3A_9, %max3A_20 : f32
    %reshape3A = vector.broadcast %div3A : f32 to vector<1x1xf32>
    %swap3A = arith.constant 0 : index
    %swap3A_21 = arith.constant 0 : index
    %swap3A_22 = vector.load %arg1[%swap3A, %swap3A_21] : memref<1x1xf32, #tpu.memory_space<vmem>>, vector<1x1xf32>
    tpu.vector_store %arg1[%swap3A, %swap3A_21], %reshape3A {strides = array<i32>} : memref<1x1xf32, #tpu.memory_space<vmem>>, vector<1x1xf32>,
    return
  }
}

</mosaic_0001>

<sc_bundles>
// kernel: kernel.5.cloned.1.call-start
scs
__scs_entry_jumppad:
0x0: {  	(pc) =	sbr.rel $0x88, $3  }
0x1: {  	(tag) =	ssettag $0x0;
	lr =	simm.s32 $0x1  }
0x2: {  	[smem:$0x3F9D] =	sst lr;
	_ =	strace $0xD0000000  }
0x3: {  	_ = 	snop  }
0x4: {  	_ = 	snop  }
0x5: {  	_ = 	snop  }
0x6: {  	_ = 	snop  }
0x7: {  	_ = 	snop  }
__scs_overlays_trampoline_lowered:
0x8: {  	[smem:$0x3FAC] =	sst s0  }
0x9: {  	[smem:$0x3FAD] =	sst s1  }
0xa: {  	[smem:$0x3FAE] =	sst s2  }
0xb: {  	[smem:$0x3FAF] =	sst s3  }
0xc: {  	[smem:$0x3FB0] =	sst s4  }
0xd: {  	[smem:$0x3FB1] =	sst s5  }
0xe: {  	[smem:$0x3FB2] =	sst s6  }
0xf: {  	[smem:$0x3FB3] =	sst s7  }
0x10: {  	[smem:$0x3FB4] =	sst s8  }
0x11: {  	[smem:$0x3FB5] =	sst s9;
	s0 =	simm.s32 @!p0 $0x0  }
0x12: {  	s1 =	sld [smem:$0x3F9B];
	s0 =	simm.s32 @p0 $0x1  }
0x13: {  	[smem:$0x3FB6] =	sst s0;
	s0 =	simm.s32 @!p1 $0x0  }
0x14: {  	s2 =	sld [smem:$0x3F9A];
	s0 =	simm.s32 @p1 $0x1  }
0x15: {  	[smem:$0x3FB7] =	sst s0;
	s0 =	simm.s32 @!p2 $0x0  }
0x16: {  	s3 =	sld [smem:$0x3FDB];
	s0 =	simm.s32 @p2 $0x1  }
0x17: {  	s4 =	simm.s32 $0x1BF5;
	[smem:$0x3FB9] =	sst s0  }
0x18: {  	s0 =	sld [smem:$0x3F9C];
	_ =	swait.ge [sflag:s4], $0x0  }
0x19: {  	s7 =	sld [smem:$0x3F9D]  }
0x1a: {  	s8 =	sadd.s32 $0xFFFFE003, lr  }
0x1b: {  	s9 =	sadd.s32 $0xFFFFFEF7, lr;
	s5 =	simm.s32 $0xFFFFFFFF;
	p2 =	slt.u32 s8, $0xFFFFF086  }
0x1c: {  	p1 =	slt.u32 s9, $0xF7A;
	s5 =	simm.s32 @!p2 $0x0  }
0x1d: {  	s5 =	simm.s32 @p1 $0x1;
	p0 =	seq.s32 s7, s2  }
0x1e: {  	s7 =	smul.u32 @!p0 $0xF7A, s2;
	p2 =	seq.s32 @!p0 s5, $0x0  }
0x1f: {  	s9 =	smul.u32 $0xF7A, s1;
	s8 =	simm.s32 @!p0 $0x1BF5;
	p2 =	por !p2, p0  }
0x20: {  	[sflag:s8] =	ssyncset.s32 @!p0 $0xFFFFF086;
	s6 =	sadd.s32 @!p0 s3, s7;
	s7 =	simm.s32 @!p0 $0x108  }
0x21: {  	s3 =	sadd.s32 s3, s9;
	s6 =	sadd.s32 @!p0 $0x88, s6;
	s7 =	simm.s32 @p2 $0x1082  }
0x22: {  	[simem:s7], [sflag:s8] =	dma.local @!p0 [hbm:s6], $0xF7A  }
0x23: {  	s9 =	sor.u32 $0xD0000000, s2;
	s6 =	simm.s32 $0x108;
	_ =	swait.ge @!p0 [sflag:s8], $0x0  }
0x24: {  	s3 =	sadd.s32 $0x88, s3;
	s6 =	simm.s32 @!p1 $0x1082;
	[sflag:s4] =	ssyncset.s32 $0xFFFFF086  }
0x25: {  	[simem:s6], [sflag:s4] =	dma.local [hbm:s3], $0xF7A  }
0x26: {  	[smem:$0x3F9D] =	sst s1;
	(tag) =	ssettag s2;
	_ =	strace s9  }
0x27: {  	s1 =	sld [smem:$0x3FAD]  }
0x28: {  	s2 =	sld [smem:$0x3FAE]  }
0x29: {  	s4 =	sld [smem:$0x3FB0]  }
0x2a: {  	p0 =	seq.s32 s5, $0x0;
	s5 =	sld [smem:$0x3FB1]  }
0x2b: {  	s6 =	sld [smem:$0x3FB2]  }
0x2c: {  	s7 =	sld [smem:$0x3FB3]  }
0x2d: {  	s3 =	simm.s32 $0x108;
	s8 =	sld [smem:$0x3FB4]  }
0x2e: {  	s3 =	simm.s32 @!p0 $0x1082;
	s9 =	sld [smem:$0x3FB5]  }
0x2f: {  	lr =	sadd.s32 s0, s3;
	s0 =	sld [smem:$0x3FAC]  }
0x30: {  	s3 =	sld [smem:$0x3FAF]  }
0x31: {  	[smem:$0x3FB8] =	sst s10  }
0x32: {  	s10 =	sld [smem:$0x3FB6];
	_ =	sdelay $0x3  }
0x33: {  	p0 =	seq.s32 s10, $0x1;
	s10 =	sld [smem:$0x3FB8];
	_ =	sdelay $0x3  }
0x34: {  	[smem:$0x3FB8] =	sst s10  }
0x35: {  	s10 =	sld [smem:$0x3FB7];
	_ =	sdelay $0x3  }
0x36: {  	p1 =	seq.s32 s10, $0x1;
	s10 =	sld [smem:$0x3FB8];
	_ =	sdelay $0x3  }
0x37: {  	[smem:$0x3FB8] =	sst s10  }
0x38: {  	s10 =	sld [smem:$0x3FB9]  }
0x39: {  	_ = 	snop;
	(pc) =	sbr.ind lr, $3  }
0x3a: {  	_ = 	snop  }
0x3b: {  	_ = 	snop  }
0x3c: {  	p2 =	seq.s32 s10, $0x1;
	s10 =	sld [smem:$0x3FB8]  }
0x3d: {  	_ =	shalt  }
0x3e: {  	_ =	shalt  }
0x3f: {  	_ =	shalt  }
0x40: {  	_ =	shalt  }
0x41: {  	_ =	shalt  }
0x42: {  	_ =	shalt  }
0x43: {  	_ =	shalt  }
0x44: {  	_ =	shalt  }
0x45: {  	_ =	shalt  }
0x46: {  	_ =	shalt  }
0x47: {  	_ =	shalt  }
0x48: {  	_ =	shalt  }
0x49: {  	_ =	shalt  }
0x4a: {  	_ =	shalt  }
0x4b: {  	_ =	shalt  }
0x4c: {  	_ =	shalt  }
0x4d: {  	_ =	shalt  }
0x4e: {  	_ =	shalt  }
0x4f: {  	_ =	shalt  }
0x50: {  	_ =	shalt  }
0x51: {  	_ =	shalt  }
0x52: {  	_ =	shalt  }
0x53: {  	_ =	shalt  }
0x54: {  	_ =	shalt  }
0x55: {  	_ =	shalt  }
0x56: {  	_ =	shalt  }
0x57: {  	_ =	shalt  }
0x58: {  	_ =	shalt  }
0x59: {  	_ =	shalt  }
0x5a: {  	_ =	shalt  }
0x5b: {  	_ =	shalt  }
0x5c: {  	_ =	shalt  }
0x5d: {  	_ =	shalt  }
0x5e: {  	_ =	shalt  }
0x5f: {  	_ =	shalt  }
0x60: {  	_ =	shalt  }
0x61: {  	_ =	shalt  }
0x62: {  	_ =	shalt  }
0x63: {  	_ =	shalt  }
0x64: {  	_ =	shalt  }
0x65: {  	_ =	shalt  }
0x66: {  	_ =	shalt  }
0x67: {  	_ =	shalt  }
0x68: {  	_ =	shalt  }
0x69: {  	_ =	shalt  }
0x6a: {  	_ =	shalt  }
0x6b: {  	_ =	shalt  }
0x6c: {  	_ =	shalt  }
0x6d: {  	_ =	shalt  }
0x6e: {  	_ =	shalt  }
0x6f: {  	_ =	shalt  }
0x70: {  	_ =	shalt  }
0x71: {  	_ =	shalt  }
0x72: {  	_ =	shalt  }
0x73: {  	_ =	shalt  }
0x74: {  	_ =	shalt  }
0x75: {  	_ =	shalt  }
0x76: {  	_ =	shalt  }
0x77: {  	_ =	shalt  }
0x78: {  	_ =	shalt  }
0x79: {  	_ =	shalt  }
0x7a: {  	_ =	shalt  }
0x7b: {  	_ =	shalt  }
0x7c: {  	_ =	shalt  }
0x7d: {  	_ =	shalt  }
0x7e: {  	_ =	shalt  }
0x7f: {  	_ =	shalt  }
0x80: {  	_ =	shalt  }
0x81: {  	_ =	shalt  }
0x82: {  	_ =	shalt  }
0x83: {  	_ =	shalt  }
0x84: {  	_ =	shalt  }
0x85: {  	_ =	shalt  }
0x86: {  	_ =	shalt  }
0x87: {  	_ =	shalt  }
.Lfunc_end0:
.L_simem_size_0:
called_computation_lowered:
.L_overlay_start_0:
0x88: {  	s2 =	sld [smem:$0x3FD9]  }
0x89: {  	s3 =	sld [smem:$0x3FFE];
	_ =	sdelay $0x1  }
0x8a: {  	s1 =	srdreg.scid  }
0x8b: {  	s0 =	sand.u32 $0x1, s1  }
0x8c: {  	s17 =	sshll.u32 s0, $0xA;
	s2 =	sadd.s32 s3, s2  }
0x8d: {  	s2 =	sadd.s32 s2, s17  }
0x8e: {  	[smem:$0x3FC4] =	sst s2  }
0x8f: {  	_ = 	snop  }
0x90: {  	s2 =	sld [smem:$0x3FC8]  }
0x91: {  	s18 =	sld [smem:$0x3FC7];
	(tm) =	ssettm $0x1  }
0x92: {  	s4 =	sld [smem:$0x3FFB];
	_ =	sdelay $0x3  }
0x93: {  	_ =	strace s4  }
0x94: {  	s4 =	sld [smem:$0x3FFC];
	_ =	sdelay $0x3  }
0x95: {  	_ =	strace s4  }
0x96: {  	s4 =	sld [smem:$0x3FFD];
	_ =	sdelay $0x3  }
0x97: {  	_ =	strace s4  }
0x98: {  	_ =	strace $0x8FFFFFFF  }
0x99: {  	s19 =	sld [smem:$0x3FDB];
	_ =	sdelay $0x1  }
0x9a: {  	s5 =	simm.s32 $_scs_section_size  }
0x9b: {  	s6 =	simm.s32 $_size__tile_overlayer_lowered;
	s7 =	simm.s32 $_tile_overlayer_lowered  }
0x9c: {  	s22 =	simm.s32 $0x1BFF;
	s21 =	sshll.u32 s7, $0x1;
	s4 =	sadd.s32 s5, s19  }
0x9d: {  	s8 =	simm.s32 $0x0;
	s20 =	sshll.u32 s6, $0x1;
	s6 =	sadd.s32 s21, s4  }
0x9e: {  	[timem:s8], [sflag:s22] =	dma.local [hbm:s6], s20  }
0x9f: {  	_ =	swait.ge [sflag:s22], s20  }
0xa0: {  	s5 =	ssub.s32 $0x0, s20;
	[sflag:s22] =	ssyncset.done $0x0  }
0xa1: {  	[sflag:s22] =	ssyncadd.s32 s5;
	_ =	sdelay $0x1  }
0xa2: {  	s23 =	simm.s32 $0x1B8B  }
0xa3: {  	_ =	swait.ge [sflag:s23], $0x1  }
0xa4: {  	[sflag:s23] =	ssyncset.done $0x0  }
0xa5: {  	s25 =	simm.s32 $0x1B8E;
	s24 =	sld [smem:$0x3FFE];
	[sflag:s23] =	ssyncadd.s32 $0xFFFFFFFF  }
0xa6: {  	s26 =	simm.s32 $execute0_lowered;
	[smem:$0x3FD2] =	sst s25  }
0xa7: {  	s6 =	sshll.u32 s26, $0x1;
	_ =	strace $0x80000046;
	[dreg:$0x1] =	wrdreg $0xFFFFFFFF  }
0xa8: {  	s28 =	simm.s32 $_size_execute0_lowered;
	s4 =	sadd.s32 s4, s6;
	[dreg:$0x0] =	wrdreg $0x0  }
0xa9: {  	s6 =	sshll.u32 s28, $0x1;
	[dreg:$0x2] =	wrdreg s4  }
0xaa: {  	[dreg:$0x3] =	wrdreg s6  }
0xab: {  	[dreg:$0x4] =	wrdreg $0xC0  }
0xac: {  	_ =	task [dreg:s8], $0x5FFFF  }
0xad: {  	[dreg:$0x1] =	wrdreg $0xFFFFFFFF  }
0xae: {  	[dreg:$0x0] =	wrdreg $0x60  }
0xaf: {  	[dreg:$0x2] =	wrdreg s24  }
0xb0: {  	[dreg:$0x3] =	wrdreg s2  }
0xb1: {  	[dreg:$0x4] =	wrdreg s18  }
0xb2: {  	[dreg:$0x5] =	wrdreg $0x9  }
0xb3: {  	_ =	task.clear_ibuf [dreg:s8], $0x6FFFF;
	_ =	strace $0x90000046  }
0xb4: {  	s29 =	simm.s32 $0x9;
	_ =	strace $0x80000048  }
0xb5: {  	_ =	swait.ge [sflag:s29], $0x1  }
0xb6: {  	[sflag:s29] =	ssyncadd.s32 $0xFFFFFFFF  }
0xb7: {  	_ =	strace $0x90000048  }
0xb8: {  	_ =	sfence  }
0xb9: {  	s30 =	sld [smem:$0x0];
	_ =	sdelay $0x2  }
0xba: {  	s31 =	sshll.u32 s1, $0xD;
	s1 =	sshrl.u32 s1, $0x2  }
0xbb: {  	s3 =	sand.u32 $0x4000, s31;
	s1 =	sadd.s32 s1, s30  }
0xbc: {  	s0 =	sor.u32 s3, s0;
	s1 =	sshll.u32 s1, $0x11  }
0xbd: {  	s0 =	sor.u32 s1, s0  }
0xbe: {  	s0 =	sadd.s32 $0x8F2B, s0  }
0xbf: {  	[sflag:s0] =	ssyncadd.remote.s32 $0x1  }
0xc0: {  	_ =	sfence.sel $0xFFFF  }
0xc1: {  	[dreg:$0x0] =	wrdreg $0xFFFFFFFF;
	(pc) =	sbr.abs _section_cstart, $3  }
0xc2: {  	[dreg:$0x1] =	wrdreg $0xFFFFFFFF  }
0xc3: {  	_ =	task.clear_ibuf [dreg:s8], $0x2FFFF;
	_ =	strace $0x9FFFFFFF  }
0xc4: {  	(tm) =	ssettm $0x7FFFFFFF  }
0xc5: {  	_ =	shalt  }
tec
execute0_lowered:
.L_overlay_start_1:
0x0: {  	(tag) =	ssettag $0x1  }
0x1: {  	s0 =	rddreg [dreg:$0x0]  }
0x2: {  	s1 =	rddreg [dreg:$0x1]  }
0x3: {  	s6 =	rddreg [dreg:$0x2];
	s3 =	srdreg.scid  }
0x4: {  	s2 =	simm.s32 $0x0;
	s5 =	stileid.u32;
	s12 =	simm.s32 $0x80  }
0x5: {  	s13 =	simm.s32 $0x1;
	s16 =	simm.s32 $0x40;
	s23 =	simm.s32 $0x380  }
0x6: {  	s28 =	simm.s32 $0x2C0;
	s29 =	simm.s32 $0x4C0;
	s30 =	simm.s32 $0x340  }
0x7: {  	s31 =	simm.s32 $0x540;
	s14 =	simm.s32 $0x2;
	s15 =	simm.s32 $0x680  }
0x8: {  	s17 =	simm.s32 $0x700;
	s18 =	simm.s32 $0x0;
	s4 =	sand.u32 $0x1, s3  }
0x9: {  	[smem:$0x7FF] =	sst s2;
	s24 =	sshll.u32 s5, $0x8;
	s3 =	sadd.s32 $0xE00, s0  }
0xa: {  	s25 =	sshll.u32 s4, $0x7;
	_ =	strace $0x80000047;
	s26 =	ssub.s32 $0x2, s4  }
0xb: {  	s4 =	sadd.s32 $0xD600, s0;
	s11 =	sor.u32 s25, s24;
	s8 =	sshrl.u32 s26, $0x1  }
0xc: {  	s24 =	simm.s32 $0x580;
	s25 =	simm.s32 $0x240;
	s7 =	sshrl.u32 s11, $0x3  }
0xd: {  	s9 =	ssub.s32 s26, s8;
	s10 =	sor.u32 $0x1000, s11;
	s11 =	sor.u32 $0x1040, s11  }
0xe: {  	s26 =	simm.s32 $0x440;
	s0 =	sadd.s32 s7, s0;
	s5 =	sadd.s32 s1, s7  }
0xf: {  	s6 =	sadd.s32 s6, s7;
	s9 =	smax.u32 s9, $0x1;
	s1 =	simm.s32 $0x5C0  }
0x10: {  	v0 =	vlaneseq.u32;
	v1 =	vimm.f32 $0.0e+00;
	s7 =	sadd.s32 $0xD800, s0;
	s8 =	sadd.s32 $0xDA00, s0;
	s0 =	simm.s32 $0x3C0  }
.LBB2_1:
0x11: {  	[tilespmem:s2], [sflag:$0x1] =	stream.linear.gather [hbm4b:s5+s2], $0x80, $0x38;
	[tilespmem:$0x780] =	vst v63  }
0x12: {  	_ = 	snop  }
0x13: {  	[tilespmem:s12], [sflag:$0x1] =	stream.linear.gather [hbm4b:s6+s2], $0x80, $0x38;
	[tilespmem:$0x780] =	vst v63  }
0x14: {  	_ =	swait.ge [sflag:s13], $0x80  }
0x15: {  	[sflag:s13] =	ssyncset.done $0x0  }
0x16: {  	[sflag:s13] =	ssyncadd.s32 $0xFFFFFF80  }
0x17: {  	_ =	swait.ge [sflag:s13], $0x80  }
0x18: {  	[sflag:s13] =	ssyncset.done $0x0  }
0x19: {  	s19 =	simm.s32 $0x100;
	[sflag:s13] =	ssyncadd.s32 $0xFFFFFF80  }
0x1a: {  	[tilespmem:s19], [sflag:$0x1] =	stream.indirect.gather [hbm4b:s4+s12], $0x1, s2, s12, $0xb8;
	[tilespmem:$0x780] =	vst v63  }
0x1b: {  	s22 =	simm.s32 $0x180  }
0x1c: {  	[tilespmem:s22], [sflag:$0x1] =	stream.indirect.gather [hbm4b:s4+s12], $0x1, s12, s12, $0xb8;
	[tilespmem:$0x780] =	vst v63  }
0x1d: {  	_ =	swait.ge [sflag:s13], $0x80  }
0x1e: {  	[sflag:s13] =	ssyncset.done $0x0  }
0x1f: {  	[sflag:s13] =	ssyncadd.s32 $0xFFFFFF80  }
0x20: {  	_ =	swait.ge [sflag:s13], $0x80  }
0x21: {  	[sflag:s13] =	ssyncset.done $0x0  }
0x22: {  	s19 =	simm.s32 $0x0;
	[sflag:s13] =	ssyncadd.s32 $0xFFFFFF80  }
0x23: {  	v5 =	vld [tilespmem:s19+$0x80];
	_ =	sdelay $0x2  }
0x24: {  	v4 =	vld [tilespmem:s19+$0x0]  }
0x25: {  	v3 =	vld [tilespmem:s19+$0x180]  }
0x26: {  	v2 =	vmov s10;
	s21 =	sadd.s32 $0x10, s10;
	v9 =	vshll.u32 v5, $0x1;
	v11 =	vand.u32 $0x7F, v5;
	v5 =	vld [tilespmem:s19+$0x100]  }
0x27: {  	v6 =	vor.u32 s10, v0;
	v7 =	vshll.u32 v2, $0x1;
	v2 =	vor.u32 s21, v0  }
0x28: {  	v6 =	vand.u32 $0x7F, v6;
	v8 =	vand.u32 $0x7FFFFF00, v7;
	v7 =	vmov s21  }
0x29: {  	v6 =	vor.u32 v6, v8;
	v8 =	vshll.u32 v4, $0x1;
	v10 =	vand.u32 $0xFFFFFF00, v9  }
0x2a: {  	s20 =	simm.s32 $0x10;
	s22 =	simm.s32 $0x80;
	v9 =	vand.u32 $0xFFFFFF00, v8;
	v8 =	vshll.u32 v3, $0xE;
	v10 =	vor.u32 v10, v11  }
.LBB2_2:
0x2b: {  	p0 =	sne.s32 s22, $0xC0;
	v11 =	vld [tilespmem:s20+$0x80];
	v12 =	vand.u32 $0x7F, v4;
	v13 =	vshll.u32 v5, $0xE;
	v10 =	vadd.s32 v10, v8  }
0x2c: {  	v4 =	vld [tilespmem:s20+$0x0];
	v9 =	vor.u32 v12, v9;
	v10 =	vor.u32 $0x80, v10;
	v12 =	vadd.s32 v6, v13  }
0x2d: {  	vm0 =	veq.s32 v5, v3;
	v9 =	vadd.s32 v13, v9;
	[tilespmem:s19+$0x280] =	vst v10;
	v10 =	vor.u32 $0x80, v12;
	v3 =	vld [tilespmem:s20+$0x180]  }
.Ltmp0:
0x2e: {  	v7 =	vshll.u32 v7, $0x1;
	s21 =	sadd.s32 $0x10, s21;
	v8 =	vadd.s32 v6, v8;
	v5 =	vld [tilespmem:s20+$0x100];
	[tilespmem:s19+$0x200] =	vst v9;
	v9 =	vsel vm0, $0xF149F2CA, v1;
	(pc) =	sbr.rel @p0 .LBB2_2-.Ltmp0, $4  }
0x2f: {  	v6 =	vand.u32 $0x7FFFFF00, v7;
	v12 =	vand.u32 $0x7F, v2;
	v2 =	vor.u32 s21, v0;
	[tilespmem:s19+$0x300] =	vst v10  }
0x30: {  	v7 =	vmov s21;
	v6 =	vor.u32 v12, v6;
	v10 =	vshll.u32 v11, $0x1;
	[tilespmem:s19+$0x380] =	vst v8  }
0x31: {  	v11 =	vand.u32 $0x7F, v11;
	v8 =	vshll.u32 v4, $0x1;
	v10 =	vand.u32 $0xFFFFFF00, v10;
	[tilespmem:s19+$0x600] =	vst v9;
	s19 =	smov.u32 s20  }
0x32: {  	s20 =	sshra.s32 s22, $0x2;
	s22 =	sadd.s32 $0x40, s22;
	v9 =	vand.u32 $0xFFFFFF00, v8;
	v8 =	vshll.u32 v3, $0xE;
	v10 =	vor.u32 v10, v11  }
0x33: {  	v11 =	vld [tilespmem:s20+$0x80]  }
0x34: {  	v4 =	vand.u32 $0x7F, v4;
	v12 =	vshll.u32 v5, $0xE;
	v10 =	vadd.s32 v10, v8;
	v13 =	vld [tilespmem:s20+$0x0]  }
0x35: {  	v14 =	vld [tilespmem:s20+$0x180];
	vm0 =	veq.s32 v5, v3;
	v4 =	vor.u32 v4, v9;
	v9 =	vor.u32 $0x80, v10  }
0x36: {  	v5 =	vshll.u32 v7, $0x1;
	v2 =	vand.u32 $0x7F, v2;
	v10 =	vadd.s32 v6, v12;
	[tilespmem:s19+$0x280] =	vst v9  }
0x37: {  	v6 =	vadd.s32 v6, v8;
	v7 =	vsel vm0, $0xF149F2CA, v1;
	v5 =	vand.u32 $0x7FFFFF00, v5;
	v3 =	vld [tilespmem:s20+$0x100]  }
0x38: {  	v4 =	vadd.s32 v12, v4;
	v9 =	vor.u32 $0x80, v10;
	v8 =	vshll.u32 v11, $0x1  }
0x39: {  	v2 =	vor.u32 v2, v5;
	[tilespmem:s19+$0x200] =	vst v4;
	v5 =	vand.u32 $0x7F, v11;
	v4 =	vand.u32 $0xFFFFFF00, v8  }
0x3a: {  	[tilespmem:s19+$0x300] =	vst v9;
	v9 =	vshll.u32 v14, $0xE;
	v8 =	vshll.u32 v13, $0x1;
	v4 =	vor.u32 v4, v5  }
0x3b: {  	[tilespmem:s19+$0x380] =	vst v6;
	v6 =	vand.u32 $0x7F, v13;
	v5 =	vand.u32 $0xFFFFFF00, v8;
	v4 =	vadd.s32 v4, v9  }
0x3c: {  	[tilespmem:s19+$0x600] =	vst v7;
	v7 =	vshll.u32 v3, $0xE;
	v5 =	vor.u32 v6, v5;
	v4 =	vor.u32 $0x80, v4  }
0x3d: {  	v5 =	vadd.s32 v7, v5;
	[tilespmem:s20+$0x280] =	vst v4  }
0x3e: {  	vm15 =	veq.s32 v3, v14;
	v6 =	vadd.s32 v2, v7;
	v2 =	vadd.s32 v2, v9;
	[tilespmem:s20+$0x200] =	vst v5  }
0x3f: {  	v3 =	vsel vm15, $0xF149F2CA, v1;
	[tilespmem:s20+$0x380] =	vst v2  }
0x40: {  	v4 =	vor.u32 $0x80, v6;
	[tilespmem:s20+$0x600] =	vst v3  }
0x41: {  	s21 =	simm.s32 $0x200;
	s22 =	simm.s32 $0x400;
	[tilespmem:s20+$0x300] =	vst v4  }
0x42: {  	[tilespmem:s22], [sflag:$0x1] =	stream.indirect.gather [hbm4b:s3+s16], $0x1, s21, s16, $0xb8;
	[tilespmem:$0x780] =	vst v63  }
0x43: {  	s21 =	simm.s32 $0x280;
	s22 =	simm.s32 $0x480  }
0x44: {  	[tilespmem:s22], [sflag:$0x1] =	stream.indirect.gather [hbm4b:s3+s16], $0x1, s21, s16, $0xb8;
	[tilespmem:$0x780] =	vst v63  }
0x45: {  	s21 =	simm.s32 $0x300;
	s22 =	simm.s32 $0x500  }
0x46: {  	[tilespmem:s22], [sflag:$0x1] =	stream.indirect.gather [hbm4b:s3+s16], $0x1, s21, s16, $0xb8;
	[tilespmem:$0x780] =	vst v63  }
0x47: {  	s19 =	simm.s32 $0x40  }
0x48: {  	[tilespmem:s24], [sflag:$0x1] =	stream.indirect.gather [hbm4b:s3+s16], $0x1, s23, s16, $0xb8;
	[tilespmem:$0x780] =	vst v63  }
0x49: {  	v5 =	vld [tilespmem:s19+$0x80];
	_ =	sdelay $0x2  }
0x4a: {  	v4 =	vld [tilespmem:s19+$0x0]  }
0x4b: {  	v2 =	vmov s11;
	v6 =	vor.u32 s11, v0;
	v3 =	vld [tilespmem:s19+$0x180]  }
0x4c: {  	v7 =	vshll.u32 v2, $0x1;
	v9 =	vshll.u32 v5, $0x1;
	v11 =	vand.u32 $0x7F, v5;
	v5 =	vld [tilespmem:s19+$0x100]  }
0x4d: {  	v6 =	vand.u32 $0x7F, v6;
	v8 =	vand.u32 $0x7FFFFF00, v7;
	s21 =	sadd.s32 $0x10, s11  }
0x4e: {  	v6 =	vor.u32 v6, v8;
	v2 =	vor.u32 s21, v0  }
0x4f: {  	v7 =	vmov s21;
	v8 =	vshll.u32 v4, $0x1;
	v10 =	vand.u32 $0xFFFFFF00, v9  }
0x50: {  	s20 =	simm.s32 $0x50;
	s22 =	simm.s32 $0x180;
	v9 =	vand.u32 $0xFFFFFF00, v8;
	v8 =	vshll.u32 v3, $0xE;
	v10 =	vor.u32 v10, v11  }
.LBB2_4:
0x51: {  	p0 =	sne.s32 s22, $0x1C0;
	v11 =	vld [tilespmem:s20+$0x80];
	v12 =	vand.u32 $0x7F, v4;
	v13 =	vshll.u32 v5, $0xE;
	v10 =	vadd.s32 v10, v8  }
0x52: {  	v4 =	vld [tilespmem:s20+$0x0];
	v9 =	vor.u32 v12, v9;
	v10 =	vor.u32 $0x80, v10;
	v12 =	vadd.s32 v6, v13  }
0x53: {  	vm0 =	veq.s32 v5, v3;
	v9 =	vadd.s32 v13, v9;
	[tilespmem:s19+$0x280] =	vst v10;
	v10 =	vor.u32 $0x80, v12;
	v3 =	vld [tilespmem:s20+$0x180]  }
.Ltmp1:
0x54: {  	v7 =	vshll.u32 v7, $0x1;
	s21 =	sadd.s32 $0x10, s21;
	v8 =	vadd.s32 v6, v8;
	v5 =	vld [tilespmem:s20+$0x100];
	[tilespmem:s19+$0x200] =	vst v9;
	v9 =	vsel vm0, $0xF149F2CA, v1;
	(pc) =	sbr.rel @p0 .LBB2_4-.Ltmp1, $4  }
0x55: {  	v6 =	vand.u32 $0x7FFFFF00, v7;
	v12 =	vand.u32 $0x7F, v2;
	v2 =	vor.u32 s21, v0;
	[tilespmem:s19+$0x300] =	vst v10  }
0x56: {  	v7 =	vmov s21;
	v6 =	vor.u32 v12, v6;
	v10 =	vshll.u32 v11, $0x1;
	[tilespmem:s19+$0x380] =	vst v8  }
0x57: {  	v11 =	vand.u32 $0x7F, v11;
	v8 =	vshll.u32 v4, $0x1;
	v10 =	vand.u32 $0xFFFFFF00, v10;
	[tilespmem:s19+$0x600] =	vst v9;
	s19 =	smov.u32 s20  }
0x58: {  	s20 =	sshra.s32 s22, $0x2;
	s22 =	sadd.s32 $0x40, s22;
	v9 =	vand.u32 $0xFFFFFF00, v8;
	v8 =	vshll.u32 v3, $0xE;
	v10 =	vor.u32 v10, v11  }
0x59: {  	v11 =	vld [tilespmem:s20+$0x80]  }
0x5a: {  	v4 =	vand.u32 $0x7F, v4;
	v12 =	vshll.u32 v5, $0xE;
	v10 =	vadd.s32 v10, v8;
	v13 =	vld [tilespmem:s20+$0x0]  }
0x5b: {  	v14 =	vld [tilespmem:s20+$0x180];
	vm0 =	veq.s32 v5, v3;
	v41 =	vshll.u32 v7, $0x1;
	v38 =	vor.u32 $0x80, v10  }
0x5c: {  	v42 =	vadd.s32 v6, v8;
	v2 =	vand.u32 $0x7F, v2;
	v4 =	vor.u32 v4, v9;
	[tilespmem:s19+$0x280] =	vst v38  }
0x5d: {  	v39 =	vadd.s32 v6, v12;
	v43 =	vsel vm0, $0xF149F2CA, v1;
	v5 =	vand.u32 $0x7FFFFF00, v41;
	v3 =	vld [tilespmem:s20+$0x100]  }
0x5e: {  	v4 =	vadd.s32 v12, v4;
	v40 =	vor.u32 $0x80, v39;
	v44 =	vshll.u32 v11, $0x1  }
0x5f: {  	v2 =	vor.u32 v2, v5;
	[tilespmem:s19+$0x200] =	vst v4;
	v46 =	vand.u32 $0x7F, v11;
	v45 =	vand.u32 $0xFFFFFF00, v44  }
0x60: {  	[tilespmem:s19+$0x300] =	vst v40;
	v47 =	vshll.u32 v13, $0x1;
	v48 =	vshll.u32 v14, $0xE;
	v4 =	vor.u32 v45, v46  }
0x61: {  	[tilespmem:s19+$0x380] =	vst v42;
	v50 =	vand.u32 $0x7F, v13;
	v49 =	vand.u32 $0xFFFFFF00, v47;
	v4 =	vadd.s32 v4, v48  }
0x62: {  	[tilespmem:s19+$0x600] =	vst v43;
	v5 =	vor.u32 v50, v49;
	v51 =	vshll.u32 v3, $0xE;
	v4 =	vor.u32 $0x80, v4  }
0x63: {  	v5 =	vadd.s32 v51, v5;
	[tilespmem:s20+$0x280] =	vst v4  }
0x64: {  	vm15 =	veq.s32 v3, v14;
	v52 =	vadd.s32 v2, v51;
	v2 =	vadd.s32 v2, v48;
	[tilespmem:s20+$0x200] =	vst v5  }
0x65: {  	v3 =	vsel vm15, $0xF149F2CA, v1;
	[tilespmem:s20+$0x380] =	vst v2  }
0x66: {  	v53 =	vor.u32 $0x80, v52;
	[tilespmem:s20+$0x600] =	vst v3  }
0x67: {  	[tilespmem:s20+$0x300] =	vst v53  }
0x68: {  	[tilespmem:s26], [sflag:$0x2] =	stream.indirect.gather [hbm4b:s3+s16], $0x1, s25, s16, $0xb8;
	[tilespmem:$0x780] =	vst v63  }
0x69: {  	_ = 	snop  }
0x6a: {  	[tilespmem:s29], [sflag:$0x2] =	stream.indirect.gather [hbm4b:s3+s16], $0x1, s28, s16, $0xb8;
	[tilespmem:$0x780] =	vst v63  }
0x6b: {  	_ = 	snop  }
0x6c: {  	[tilespmem:s31], [sflag:$0x2] =	stream.indirect.gather [hbm4b:s3+s16], $0x1, s30, s16, $0xb8;
	[tilespmem:$0x780] =	vst v63  }
0x6d: {  	_ = 	snop  }
0x6e: {  	[tilespmem:s1], [sflag:$0x2] =	stream.indirect.gather [hbm4b:s3+s16], $0x1, s0, s16, $0xb8;
	[tilespmem:$0x780] =	vst v63  }
0x6f: {  	_ =	swait.ge [sflag:s13], $0x40  }
0x70: {  	[sflag:s13] =	ssyncset.done $0x0  }
0x71: {  	[sflag:s13] =	ssyncadd.s32 $0xFFFFFFC0  }
0x72: {  	_ =	swait.ge [sflag:s13], $0x40  }
0x73: {  	[sflag:s13] =	ssyncset.done $0x0  }
0x74: {  	[sflag:s13] =	ssyncadd.s32 $0xFFFFFFC0  }
0x75: {  	_ =	swait.ge [sflag:s13], $0x40  }
0x76: {  	[sflag:s13] =	ssyncset.done $0x0  }
0x77: {  	[sflag:s13] =	ssyncadd.s32 $0xFFFFFFC0  }
0x78: {  	_ =	swait.ge [sflag:s13], $0x40  }
0x79: {  	[sflag:s13] =	ssyncset.done $0x0  }
0x7a: {  	[sflag:s13] =	ssyncadd.s32 $0xFFFFFFC0  }
0x7b: {  	v2 =	vld [tilespmem:$0x500]  }
0x7c: {  	v3 =	vld [tilespmem:$0x400]  }
0x7d: {  	v54 =	vld [tilespmem:$0x600]  }
0x7e: {  	v55 =	vld [tilespmem:$0x580]  }
0x7f: {  	v56 =	vld [tilespmem:$0x480]  }
0x80: {  	v57 =	vld [tilespmem:$0x600]  }
0x81: {  	v58 =	vld [tilespmem:$0x510]  }
0x82: {  	v59 =	vld [tilespmem:$0x410]  }
0x83: {  	v60 =	vld [tilespmem:$0x610]  }
0x84: {  	v61 =	vld [tilespmem:$0x590]  }
0x85: {  	v62 =	vld [tilespmem:$0x490]  }
0x86: {  	v63 =	vld [tilespmem:$0x610]  }
0x87: {  	v24 =	vld [tilespmem:$0x520]  }
0x88: {  	v15 =	vld [tilespmem:$0x420]  }
0x89: {  	v16 =	vld [tilespmem:$0x620]  }
0x8a: {  	v17 =	vld [tilespmem:$0x5A0]  }
0x8b: {  	v18 =	vld [tilespmem:$0x4A0]  }
0x8c: {  	v19 =	vld [tilespmem:$0x620]  }
0x8d: {  	v20 =	vld [tilespmem:$0x530]  }
0x8e: {  	v25 =	vld [tilespmem:$0x5B0];
	v2 =	vsub.f32 v2, v3  }
0x8f: {  	v3 =	vld [tilespmem:$0x430];
	v5 =	vsub.f32 v55, v56  }
0x90: {  	v27 =	vld [tilespmem:$0x4B0];
	v26 =	vsub.f32 v58, v59;
	v2 =	vadd.f32 v54, v2  }
0x91: {  	v29 =	vld [tilespmem:$0x630];
	v28 =	vsub.f32 v61, v62;
	v5 =	vadd.f32 v57, v5  }
0x92: {  	v31 =	vld [tilespmem:$0x630];
	v30 =	vsub.f32 v24, v15;
	[tilespmem:$0x680] =	vst v2;
	v2 =	vadd.f32 v60, v26  }
0x93: {  	v33 =	vsub.f32 v17, v18;
	v32 =	vadd.f32 v63, v28;
	[tilespmem:$0x700] =	vst v5  }
0x94: {  	v3 =	vsub.f32 v20, v3;
	[tilespmem:$0x690] =	vst v2;
	v2 =	vadd.f32 v16, v30  }
0x95: {  	v35 =	vsub.f32 v25, v27;
	v34 =	vadd.f32 v19, v33;
	[tilespmem:$0x710] =	vst v32  }
0x96: {  	[tilespmem:$0x6A0] =	vst v2;
	v2 =	vadd.f32 v29, v3  }
0x97: {  	[tilespmem:$0x720] =	vst v34;
	v3 =	vadd.f32 v31, v35  }
0x98: {  	[tilespmem:$0x6B0] =	vst v2  }
0x99: {  	[tilespmem:$0x730] =	vst v3  }
0x9a: {  	_ =	swait.ge [sflag:s14], $0x40  }
0x9b: {  	[sflag:s14] =	ssyncset.done $0x0  }
0x9c: {  	[sflag:s14] =	ssyncadd.s32 $0xFFFFFFC0  }
0x9d: {  	_ =	swait.ge [sflag:s14], $0x40  }
0x9e: {  	[sflag:s14] =	ssyncset.done $0x0  }
0x9f: {  	[sflag:s14] =	ssyncadd.s32 $0xFFFFFFC0  }
0xa0: {  	_ =	swait.ge [sflag:s14], $0x40  }
0xa1: {  	[sflag:s14] =	ssyncset.done $0x0  }
0xa2: {  	[sflag:s14] =	ssyncadd.s32 $0xFFFFFFC0  }
0xa3: {  	_ =	swait.ge [sflag:s14], $0x40  }
0xa4: {  	[sflag:s14] =	ssyncset.done $0x0  }
0xa5: {  	[sflag:s14] =	ssyncadd.s32 $0xFFFFFFC0  }
0xa6: {  	v2 =	vld [tilespmem:$0x540]  }
0xa7: {  	v3 =	vld [tilespmem:$0x440]  }
0xa8: {  	v36 =	vld [tilespmem:$0x640]  }
0xa9: {  	v37 =	vld [tilespmem:$0x5C0]  }
0xaa: {  	v38 =	vld [tilespmem:$0x4C0]  }
0xab: {  	v39 =	vld [tilespmem:$0x640]  }
0xac: {  	v40 =	vld [tilespmem:$0x550]  }
0xad: {  	v41 =	vld [tilespmem:$0x450]  }
0xae: {  	v42 =	vld [tilespmem:$0x650]  }
0xaf: {  	v43 =	vld [tilespmem:$0x5D0]  }
0xb0: {  	v44 =	vld [tilespmem:$0x4D0]  }
0xb1: {  	v45 =	vld [tilespmem:$0x650]  }
0xb2: {  	v46 =	vld [tilespmem:$0x560]  }
0xb3: {  	v47 =	vld [tilespmem:$0x460]  }
0xb4: {  	v48 =	vld [tilespmem:$0x660]  }
0xb5: {  	v49 =	vld [tilespmem:$0x5E0]  }
0xb6: {  	v50 =	vld [tilespmem:$0x4E0]  }
0xb7: {  	v51 =	vld [tilespmem:$0x660]  }
0xb8: {  	v52 =	vld [tilespmem:$0x570]  }
0xb9: {  	v53 =	vld [tilespmem:$0x5F0];
	v2 =	vsub.f32 v2, v3  }
0xba: {  	v3 =	vld [tilespmem:$0x470];
	v5 =	vsub.f32 v37, v38  }
0xbb: {  	v55 =	vld [tilespmem:$0x4F0];
	v54 =	vsub.f32 v40, v41;
	v2 =	vadd.f32 v36, v2  }
0xbc: {  	v57 =	vld [tilespmem:$0x670];
	v56 =	vsub.f32 v43, v44;
	v5 =	vadd.f32 v39, v5  }
0xbd: {  	v59 =	vld [tilespmem:$0x670];
	v58 =	vsub.f32 v46, v47;
	[tilespmem:$0x6C0] =	vst v2;
	v2 =	vadd.f32 v42, v54  }
0xbe: {  	v61 =	vsub.f32 v49, v50;
	v60 =	vadd.f32 v45, v56;
	[tilespmem:$0x740] =	vst v5  }
0xbf: {  	v3 =	vsub.f32 v52, v3;
	[tilespmem:$0x6D0] =	vst v2;
	v2 =	vadd.f32 v48, v58  }
0xc0: {  	v63 =	vsub.f32 v53, v55;
	v62 =	vadd.f32 v51, v61;
	[tilespmem:$0x750] =	vst v60  }
0xc1: {  	[tilespmem:$0x6E0] =	vst v2;
	v2 =	vadd.f32 v57, v3  }
0xc2: {  	[tilespmem:$0x760] =	vst v62;
	v3 =	vadd.f32 v59, v63  }
0xc3: {  	[tilespmem:$0x6F0] =	vst v2  }
0xc4: {  	[tilespmem:$0x770] =	vst v3  }
0xc5: {  	[hbm4b:s7+s2] =	stream.linear.scatter [tilespmem:s15], [sflag:$0x1], $0x80, $0x38;
	[tilespmem:$0x780] =	vst v63  }
0xc6: {  	s18 =	sadd.s32 $0x1, s18  }
0xc7: {  	[hbm4b:s8+s2] =	stream.linear.scatter [tilespmem:s17], [sflag:$0x1], $0x80, $0x38;
	[tilespmem:$0x780] =	vst v63  }
0xc8: {  	p0 =	sne.s32 s18, s9;
	_ =	swait.ge [sflag:s13], $0x80  }
.Ltmp2:
0xc9: {  	[sflag:s13] =	ssyncset.done $0x0;
	(pc) =	sbr.rel @p0 .LBB2_1-.Ltmp2, $4  }
0xca: {  	[sflag:s13] =	ssyncadd.s32 $0xFFFFFF80  }
0xcb: {  	_ =	swait.ge [sflag:s13], $0x80  }
0xcc: {  	[sflag:s13] =	ssyncset.done $0x0  }
0xcd: {  	[sflag:s13] =	ssyncadd.s32 $0xFFFFFF80  }
0xce: {  	_ =	sfence.sel $0x180000  }
0xcf: {  	[bflag:$0x0] =	sbarrier.arrive $0xFFFF  }
0xd0: {  	_ =	strace $0x90000047  }
0xd1: {  	s0 =	stileid.u32;
	[bflag:$0x2] =	sbarrier.arrive $0xFFFF  }
0xd2: {  	p0 =	sne.s32 s0, $0x0;
	s0 =	rddreg [dreg:$0x3]  }
0xd3: {  	s0 =	sadd.s32 @!p0 $0x100000, s0  }
0xd4: {  	[sflag:s0] =	ssyncadd.tile.s32 @!p0 $0x1;
	_ =	shalt  }
.Lfunc_end2:
_tile_overlayer_lowered:
.L_overlay_start_2:
0xd5: {  	(tag) =	ssettag $0x2  }
0xd6: {  	s0 =	rddreg [dreg:$0x0];
	s2 =	stileid.u32  }
0xd7: {  	s1 =	rddreg [dreg:$0x1];
	p0 =	sne.s32 s2, $0x0  }
0xd8: {  	s3 =	rddreg [dreg:$0x2];
	[bflag:$0x3] =	sbarrier.arrive $0xFFFF;
	s2 =	simm.s32 @!p0 $0x1C03  }
0xd9: {  	[timem:s3], [sflag:s2] =	dma.local @!p0 [hbm:s0], s1  }
0xda: {  	s0 =	simm.s32 @!p0 $0x3  }
0xdb: {  	_ =	swait.ge @!p0 [sflag:s0], s1  }
0xdc: {  	s1 =	ssub.s32 @!p0 $0x0, s1;
	[sflag:s0] =	ssyncset.done @!p0 $0x0  }
0xdd: {  	[sflag:s0] =	ssyncadd.s32 @!p0 s1  }
0xde: {  	[bflag:$0x3] =	sbarrier.arrive $0xFFFF  }
0xdf: {  	_ =	shalt  }

</sc_bundles>
